<compile_context>
chip_gen: v7x
topology: tpu7x:2x2x1
jax: 0.10.2.dev20260603
libtpu: 0.0.44.dev20260713+nightly
codegen_flags: <defaults>
</compile_context>

<pallas_src>
import functools

import jax
import jax.numpy as jnp
from jax import lax
from jax.experimental import pallas as pl
from jax.experimental.pallas import tpu as pltpu
from jax.experimental.pallas import tpu_sc as plsc

T = 2048
H = 1024
E = 8
KTOP = 2
IDIM = 2752
BLK = 512
IC = 688
NIC = IDIM // IC
NBR = 15
PADR = NBR * BLK

_NW = 32
_SLOTS = KTOP * T
_SPW = _SLOTS // _NW
_SUB = 32
_NSUB = _SPW // _SUB


def _router_body(x_ref, gw_ref, p_ref, w_ref, meta_ref):
    x = x_ref[...]
    gw = gw_ref[...]
    logits = lax.dot_general(x, gw, (((1,), (1,)), ((), ())),
                             preferred_element_type=jnp.float32)
    scores = jax.nn.softmax(logits, axis=-1)

    eidx = lax.broadcasted_iota(jnp.int32, (T, E), 1)
    m1 = jnp.max(scores, axis=-1, keepdims=True)
    a1 = jnp.min(jnp.where(scores == m1, eidx, E), axis=-1, keepdims=True)
    s2 = jnp.where(eidx == a1, -jnp.inf, scores)
    m2 = jnp.max(s2, axis=-1, keepdims=True)
    a2 = jnp.min(jnp.where(s2 == m2, eidx, E), axis=-1, keepdims=True)
    denom = m1 + m2 + 1e-20
    w1 = m1 / denom
    w2 = m2 / denom

    oh1 = (eidx == a1).astype(jnp.float32)
    oh2 = (eidx == a2).astype(jnp.float32)
    ofull = jnp.concatenate([oh1, oh2], axis=0)

    cnt = jnp.sum(ofull, axis=0, keepdims=True)
    nblk = jnp.floor((cnt + (BLK - 1)) / BLK)

    eye8 = (lax.broadcasted_iota(jnp.int32, (E, E), 0)
            == lax.broadcasted_iota(jnp.int32, (E, E), 1)).astype(jnp.float32)
    nblk_col = jnp.sum(eye8 * nblk, axis=1, keepdims=True)
    l_strict = (lax.broadcasted_iota(jnp.int32, (E, E), 0)
                > lax.broadcasted_iota(jnp.int32, (E, E), 1)).astype(jnp.float32)
    l_incl = (lax.broadcasted_iota(jnp.int32, (E, E), 0)
              >= lax.broadcasted_iota(jnp.int32, (E, E), 1)).astype(jnp.float32)
    segstart_col = lax.dot_general(l_strict, nblk_col,
                                   (((1,), (0,)), ((), ()))) * BLK
    cumincl_col = lax.dot_general(l_incl, nblk_col,
                                  (((1,), (0,)), ((), ())))
    segstart_row = jnp.sum(eye8 * segstart_col, axis=0, keepdims=True)

    tril = (lax.broadcasted_iota(jnp.int32, (128, 128), 0)
            > lax.broadcasted_iota(jnp.int32, (128, 128), 1)).astype(jnp.float32)

    cnts = jnp.zeros((1, E), jnp.float32)
    rank_chunks = []
    for c in range((2 * T) // 128):
        blk = ofull[c * 128:(c + 1) * 128, :]
        pre = lax.dot_general(tril, blk, (((1,), (0,)), ((), ())))
        rank_chunks.append(pre + cnts)
        cnts = cnts + jnp.sum(blk, axis=0, keepdims=True)
    ranks = jnp.concatenate(rank_chunks, axis=0)

    pos = jnp.sum(ofull * (ranks + segstart_row), axis=-1, keepdims=True)
    pos = pos.astype(jnp.int32)
    p_ref[...] = jnp.concatenate([pos[:T], pos[T:]], axis=1)
    w_ref[...] = jnp.concatenate([w1, w2], axis=1)

    nba = jnp.sum(nblk_col)
    biota = lax.broadcasted_iota(jnp.int32, (1, 16), 1).astype(jnp.float32)
    cmp = (cumincl_col <= biota).astype(jnp.float32)
    gid = jnp.sum(cmp, axis=0, keepdims=True)
    gid_last = jnp.sum((cumincl_col <= (nba - 1.0)).astype(jnp.float32),
                       axis=0, keepdims=True)
    gid = jnp.where(biota < nba, gid, gid_last)
    lane = lax.broadcasted_iota(jnp.int32, (1, 16), 1)
    meta_ref[...] = jnp.where(lane == 15, nba.astype(jnp.int32),
                              gid.astype(jnp.int32))


def _router(xt, gate_w):
    return pl.pallas_call(
        _router_body,
        grid=(1,),
        in_specs=[pl.BlockSpec((T, H), lambda i: (0, 0)),
                  pl.BlockSpec((E, H), lambda i: (0, 0))],
        out_specs=[pl.BlockSpec((T, KTOP), lambda i: (0, 0)),
                   pl.BlockSpec((T, KTOP), lambda i: (0, 0)),
                   pl.BlockSpec((1, 16), lambda i: (0, 0))],
        out_shape=[jax.ShapeDtypeStruct((T, KTOP), jnp.int32),
                   jax.ShapeDtypeStruct((T, KTOP), jnp.float32),
                   jax.ShapeDtypeStruct((1, 16), jnp.int32)],
    )(xt, gate_w)


def _dispatch_sc(xt, pkm):
    mesh = plsc.VectorSubcoreMesh(core_axis_name="c", subcore_axis_name="s")

    @functools.partial(
        pl.kernel,
        out_type=jax.ShapeDtypeStruct((PADR, H), jnp.float32),
        mesh=mesh,
        scratch_types=[pltpu.VMEM((_NSUB, _SUB), jnp.int32),
                       pltpu.VMEM((_SUB, H), jnp.float32),
                       pltpu.SemaphoreType.DMA],
    )
    def body(x_hbm, pidx_hbm, xs_hbm, idx_v, rows_v, sem):
        wid = lax.axis_index("s") * 2 + lax.axis_index("c")
        pltpu.sync_copy(pidx_hbm.at[pl.ds(wid * _NSUB, _NSUB)], idx_v)
        tbase = lax.rem(wid * _SPW, T)
        for j in range(_NSUB):
            pltpu.sync_copy(x_hbm.at[pl.ds(tbase + j * _SUB, _SUB)], rows_v)
            pltpu.async_copy(rows_v, xs_hbm.at[idx_v.at[j]], sem).wait()

    return body(xt, pkm)


def _gather_sc(ys, pkm):
    mesh = plsc.VectorSubcoreMesh(core_axis_name="c", subcore_axis_name="s")

    @functools.partial(
        pl.kernel,
        out_type=jax.ShapeDtypeStruct((_SLOTS, H), jnp.float32),
        mesh=mesh,
        scratch_types=[pltpu.VMEM((_NSUB, _SUB), jnp.int32),
                       pltpu.VMEM((_SUB, H), jnp.float32),
                       pltpu.SemaphoreType.DMA],
    )
    def body(ys_hbm, pidx_hbm, g_hbm, idx_v, rows_v, sem):
        wid = lax.axis_index("s") * 2 + lax.axis_index("c")
        pltpu.sync_copy(pidx_hbm.at[pl.ds(wid * _NSUB, _NSUB)], idx_v)
        for j in range(_NSUB):
            pltpu.async_copy(ys_hbm.at[idx_v.at[j]], rows_v, sem).wait()
            pltpu.sync_copy(rows_v, g_hbm.at[pl.ds(wid * _SPW + j * _SUB, _SUB)])

    return body(ys, pkm)


def _ffn_grouped_body(meta_ref, xs_ref, wg_ref, wu_ref, wd_ref, out_ref):
    i = pl.program_id(0)
    j = pl.program_id(1)
    nba = meta_ref[15]

    @pl.when(i < nba)
    def _():
        xb = xs_ref[...]
        h1 = lax.dot_general(xb, wg_ref[0], (((1,), (1,)), ((), ())),
                             preferred_element_type=jnp.float32)
        h2 = lax.dot_general(xb, wu_ref[0], (((1,), (1,)), ((), ())),
                             preferred_element_type=jnp.float32)
        p = (h1 * lax.logistic(h1)) * h2
        part = lax.dot_general(p, wd_ref[0], (((1,), (0,)), ((), ())),
                               preferred_element_type=jnp.float32)

        @pl.when(j == 0)
        def _():
            out_ref[...] = part

        @pl.when(j > 0)
        def _():
            out_ref[...] += part


def _ffn_grouped(meta1, xs, Wg, Wu, Wd):
    def row_idx(i, j, m):
        return (jnp.minimum(i, m[15] - 1), 0)

    def jcol(i, j, m):
        return jnp.where(i < m[15], j, NIC - 1)

    grid_spec = pltpu.PrefetchScalarGridSpec(
        num_scalar_prefetch=1,
        grid=(NBR, NIC),
        in_specs=[
            pl.BlockSpec((BLK, H), row_idx),
            pl.BlockSpec((1, IC, H), lambda i, j, m: (m[i], jcol(i, j, m), 0)),
            pl.BlockSpec((1, IC, H), lambda i, j, m: (m[i], jcol(i, j, m), 0)),
            pl.BlockSpec((1, IC, H), lambda i, j, m: (m[i], jcol(i, j, m), 0)),
        ],
        out_specs=pl.BlockSpec((BLK, H), row_idx),
    )
    return pl.pallas_call(
        _ffn_grouped_body,
        grid_spec=grid_spec,
        out_shape=jax.ShapeDtypeStruct((PADR, H), jnp.float32),
        compiler_params=pltpu.CompilerParams(
            dimension_semantics=("arbitrary", "arbitrary")),
    )(meta1, xs, Wg, Wu, Wd)


def _ffn_shared_body(x_ref, sg_ref, su_ref, sd_ref, out_ref):
    j = pl.program_id(1)
    xb = x_ref[...]
    h1 = lax.dot_general(xb, sg_ref[...], (((1,), (1,)), ((), ())),
                         preferred_element_type=jnp.float32)
    h2 = lax.dot_general(xb, su_ref[...], (((1,), (1,)), ((), ())),
                         preferred_element_type=jnp.float32)
    p = (h1 * lax.logistic(h1)) * h2
    part = lax.dot_general(p, sd_ref[...], (((1,), (0,)), ((), ())),
                           preferred_element_type=jnp.float32)

    @pl.when(j == 0)
    def _():
        out_ref[...] = part

    @pl.when(j > 0)
    def _():
        out_ref[...] += part


def _ffn_shared(xt, Sg, Su, Sd):
    return pl.pallas_call(
        _ffn_shared_body,
        grid=(T // BLK, NIC),
        in_specs=[pl.BlockSpec((BLK, H), lambda i, j: (i, 0)),
                  pl.BlockSpec((IC, H), lambda i, j: (j, 0)),
                  pl.BlockSpec((IC, H), lambda i, j: (j, 0)),
                  pl.BlockSpec((IC, H), lambda i, j: (j, 0))],
        out_specs=pl.BlockSpec((BLK, H), lambda i, j: (i, 0)),
        out_shape=jax.ShapeDtypeStruct((T, H), jnp.float32),
        compiler_params=pltpu.CompilerParams(
            dimension_semantics=("arbitrary", "arbitrary")),
    )(xt, Sg, Su, Sd)


def _combine_body(g_ref, ysh_ref, w_ref, y_ref):
    g1 = g_ref[0]
    g2 = g_ref[1]
    w1 = w_ref[:, 0:1]
    w2 = w_ref[:, 1:2]
    y_ref[...] = w1 * g1 + w2 * g2 + ysh_ref[...]


def _combine(g, ysh, W):
    return pl.pallas_call(
        _combine_body,
        grid=(T // BLK,),
        in_specs=[pl.BlockSpec((KTOP, BLK, H), lambda i: (0, i, 0)),
                  pl.BlockSpec((BLK, H), lambda i: (i, 0)),
                  pl.BlockSpec((BLK, KTOP), lambda i: (i, 0))],
        out_specs=pl.BlockSpec((BLK, H), lambda i: (i, 0)),
        out_shape=jax.ShapeDtypeStruct((T, H), jnp.float32),
    )(g, ysh, W)


def kernel(x, gate_w, Wg, Wu, Wd, Sg, Su, Sd):
    b, s, h = x.shape
    xt = x.reshape(T, H)
    P, W, meta = _router(xt, gate_w)
    meta1 = meta.reshape(16)
    pkm = P.T.reshape(_SLOTS // _SUB, _SUB)
    xs = _dispatch_sc(xt, pkm)
    ysh = _ffn_shared(xt, Sg, Su, Sd.T)
    ys = _ffn_grouped(meta1, xs, Wg, Wu, Wd.transpose(0, 2, 1))
    g = _gather_sc(ys, pkm)
    y = _combine(g.reshape(KTOP, T, H), ysh, W)
    return y.reshape(b, s, h)

# --- scband reference (transcript-rebuilt; emitter-appended) ---
"""Pipeline reference for scband-moefeed-forward-26508538151527 (READ-ONLY COPY).

The authoritative reference and input builder live on the scoring server;
editing this copy changes nothing except your own understanding.
"""

import jax, jax.numpy as jnp
import numpy as np

B, S, H = 1, 2048, 1024
E, TOP_K, I = 8, 2, 2752


def setup_inputs(seed: int = 0) -> dict:
    key = jax.random.key(seed)
    ks = jax.random.split(key, 9)
    x = jax.random.normal(ks[0], (B, S, H), dtype=jnp.float32)
    # gate weight, kaiming-uniform-ish scale
    gate_w = jax.random.uniform(ks[1], (E, H), dtype=jnp.float32, minval=-1.0, maxval=1.0) * (1.0 / np.sqrt(H))
    Wg = jax.random.normal(ks[2], (E, I, H), dtype=jnp.float32) * 0.02
    Wu = jax.random.normal(ks[3], (E, I, H), dtype=jnp.float32) * 0.02
    Wd = jax.random.normal(ks[4], (E, H, I), dtype=jnp.float32) * 0.02
    Sg = jax.random.normal(ks[5], (I, H), dtype=jnp.float32) * 0.02
    Su = jax.random.normal(ks[6], (I, H), dtype=jnp.float32) * 0.02
    Sd = jax.random.normal(ks[7], (H, I), dtype=jnp.float32) * 0.02
    return {"x": x, "gate_w": gate_w, "Wg": Wg, "Wu": Wu, "Wd": Wd, "Sg": Sg, "Su": Su, "Sd": Sd}


def _ffn(xf, wg, wu, wd):
    # SwiGLU: down(silu(gate(x)) * up(x)), no bias, dropout=0
    return (jax.nn.silu(xf @ wg.T) * (xf @ wu.T)) @ wd.T


def reference(x, gate_w, Wg, Wu, Wd, Sg, Su, Sd):
    b, s, h = x.shape
    xt = x.reshape(-1, h)  # [T, H]
    T = xt.shape[0]
    # --- MoEGate ---
    logits = xt @ gate_w.T                      # [T, E]
    scores = jax.nn.softmax(logits, axis=-1)
    topk_w, topk_idx = jax.lax.top_k(scores, TOP_K)  # [T, K]
    denom = topk_w.sum(axis=-1, keepdims=True) + 1e-20
    topk_w = topk_w / denom
    # combine weights per expert via scatter-add: [T, E]
    comb = jnp.zeros((T, E), dtype=xt.dtype).at[jnp.arange(T)[:, None], topk_idx].add(topk_w)
    # --- routed experts ---
    outs = jax.vmap(lambda wg, wu, wd: _ffn(xt, wg, wu, wd))(Wg, Wu, Wd)  # [E, T, H]
    y = jnp.einsum('te,eth->th', comb, outs)
    # --- shared expert (always active) ---
    y = y + _ffn(xt, Sg, Su, Sd)
    return y.reshape(b, s, h)

if __name__ == "__main__":
    import jax
    _d = setup_inputs()
    print(jax.jit(kernel)(*tuple(_d.values())))

</pallas_src>

<mosaic_0001>
#map = affine_map<(d0, d1) -> (0, 0)>
module attributes {stable_mosaic.version = 14 : i64} {
  func.func @body(%arg0: i32, %arg1: i32, %arg2: memref<7680x1024xf32, #tpu.memory_space<hbm>>, %arg3: memref<128x32xi32, #tpu.memory_space<hbm>>, %arg4: memref<4096x1024xf32, #tpu.memory_space<hbm>>, %arg5: memref<4x32xi32, #tpu.memory_space<vmem>>, %arg6: memref<32x1024xf32, #tpu.memory_space<vmem>>, %arg7: memref<!tpu.dma_semaphore, #tpu.memory_space<semaphore_mem>>) attributes {dimension_semantics = [#tpu.dimension_semantics<core_parallel>, #tpu.dimension_semantics<subcore_parallel>], iteration_bounds = array<i64: 2, 16>, scalar_prefetch = 0 : i64, scratch_operands = 3 : i64, tpu.core_type = #tpu.core_type<sc_vector_subcore>, window_params = [{transform_indices = #map}, {transform_indices = #map}, {transform_indices = #map}]} {
    %mul3A = arith.constant 2 : i32
    %mul3A_0 = arith.muli %arg1, %mul3A : i32
    %add3A = arith.addi %mul3A_0, %arg0 : i32
    %mul3A_1 = arith.constant 4 : i32
    %mul3A_2 = arith.muli %add3A, %mul3A_1 : i32
    "tpu.region"() ({
      %run_scoped3A = tpu.sem_alloc : memref<!tpu.dma_semaphore, #tpu.memory_space<semaphore_mem>>
      %dma_start3A_73 = arith.constant 0 : i32
      %dma_start3A_74 = tpu.memref_slice %arg3[%mul3A_2, %dma_start3A_73] : memref<128x32xi32, #tpu.memory_space<hbm>> -> memref<4x32xi32, #tpu.memory_space<hbm>>
      %dma_start3A_75 = arith.constant 0 : i32
      %dma_start3A_76 = tpu.memref_slice %arg3[%mul3A_2, %dma_start3A_75] : memref<128x32xi32, #tpu.memory_space<hbm>> -> memref<4x32xi32, #tpu.memory_space<hbm>>
      tpu.enqueue_dma source(%dma_start3A_76 : memref<4x32xi32, #tpu.memory_space<hbm>>) target(%arg5 : memref<4x32xi32, #tpu.memory_space<vmem>>) target_semaphore(%run_scoped3A : memref<!tpu.dma_semaphore, #tpu.memory_space<semaphore_mem>>)
      %dma_wait3A_77 = arith.constant 0 : i32
      %dma_wait3A_78 = tpu.memref_slice %arg3[%mul3A_2, %dma_wait3A_77] : memref<128x32xi32, #tpu.memory_space<hbm>> -> memref<4x32xi32, #tpu.memory_space<hbm>>
      %dma_wait3A_79 = arith.constant 0 : i32
      %dma_wait3A_80 = tpu.memref_slice %arg3[%mul3A_2, %dma_wait3A_79] : memref<128x32xi32, #tpu.memory_space<hbm>> -> memref<4x32xi32, #tpu.memory_space<hbm>>
      tpu.wait_dma2 semaphore(%run_scoped3A : memref<!tpu.dma_semaphore, #tpu.memory_space<semaphore_mem>>) src(%dma_wait3A_80 : memref<4x32xi32, #tpu.memory_space<hbm>>) dst(%arg5 : memref<4x32xi32, #tpu.memory_space<vmem>>)
      tpu.yield
    }) : () -> ()
    %dma_start3A = arith.constant 0 : i32
    %dma_start3A_3 = arith.constant 0 : i32
    %dma_start3A_4 = tpu.memref_slice %arg5[%dma_start3A, %dma_start3A_3] : memref<4x32xi32, #tpu.memory_space<vmem>> -> memref<1x32xi32, #tpu.memory_space<vmem>>
    %dma_start3A_5 = tpu.memref_squeeze %dma_start3A_4 : memref<1x32xi32, #tpu.memory_space<vmem>> -> memref<32xi32, #tpu.memory_space<vmem>>
    %dma_start3A_6 = arith.constant 0 : i32
    %dma_start3A_7 = arith.constant 0 : i32
    %dma_start3A_8 = tpu.memref_slice %arg2[%dma_start3A_6, %dma_start3A_7] : memref<7680x1024xf32, #tpu.memory_space<hbm>> -> memref<7680x1024xf32, #tpu.memory_space<hbm>>
    tpu.enqueue_indirect_dma source(%dma_start3A_8 : memref<7680x1024xf32, #tpu.memory_space<hbm>>) target(%arg6 : memref<32x1024xf32, #tpu.memory_space<vmem>>) offsets(%dma_start3A_5 : memref<32xi32, #tpu.memory_space<vmem>>) semaphore(%arg7 : memref<!tpu.dma_semaphore, #tpu.memory_space<semaphore_mem>>)
    %dma_wait3A = arith.constant 0 : i32
    %dma_wait3A_9 = arith.constant 0 : i32
    %dma_wait3A_10 = tpu.memref_slice %arg5[%dma_wait3A, %dma_wait3A_9] : memref<4x32xi32, #tpu.memory_space<vmem>> -> memref<1x32xi32, #tpu.memory_space<vmem>>
    %dma_wait3A_11 = tpu.memref_squeeze %dma_wait3A_10 : memref<1x32xi32, #tpu.memory_space<vmem>> -> memref<32xi32, #tpu.memory_space<vmem>>
    %dma_wait3A_12 = arith.constant 0 : i32
    %dma_wait3A_13 = arith.constant 0 : i32
    %dma_wait3A_14 = tpu.memref_slice %arg2[%dma_wait3A_12, %dma_wait3A_13] : memref<7680x1024xf32, #tpu.memory_space<hbm>> -> memref<7680x1024xf32, #tpu.memory_space<hbm>>
    tpu.wait_indirect_dma semaphore(%arg7 : memref<!tpu.dma_semaphore, #tpu.memory_space<semaphore_mem>>) src(%dma_wait3A_14 : memref<7680x1024xf32, #tpu.memory_space<hbm>>) dst(%arg6 : memref<32x1024xf32, #tpu.memory_space<vmem>>)
    %mul3A_15 = arith.constant 128 : i32
    %mul3A_16 = arith.muli %add3A, %mul3A_15 : i32
    %add3A_17 = arith.constant 0 : i32
    %add3A_18 = arith.addi %mul3A_16, %add3A_17 : i32
    "tpu.region"() ({
      %run_scoped3A = tpu.sem_alloc : memref<!tpu.dma_semaphore, #tpu.memory_space<semaphore_mem>>
      %dma_start3A_73 = arith.constant 0 : i32
      %dma_start3A_74 = tpu.memref_slice %arg4[%add3A_18, %dma_start3A_73] : memref<4096x1024xf32, #tpu.memory_space<hbm>> -> memref<32x1024xf32, #tpu.memory_space<hbm>>
      %dma_start3A_75 = arith.constant 0 : i32
      %dma_start3A_76 = tpu.memref_slice %arg4[%add3A_18, %dma_start3A_75] : memref<4096x1024xf32, #tpu.memory_space<hbm>> -> memref<32x1024xf32, #tpu.memory_space<hbm>>
      tpu.enqueue_dma source(%arg6 : memref<32x1024xf32, #tpu.memory_space<vmem>>) target(%dma_start3A_76 : memref<32x1024xf32, #tpu.memory_space<hbm>>) target_semaphore(%run_scoped3A : memref<!tpu.dma_semaphore, #tpu.memory_space<semaphore_mem>>)
      %dma_wait3A_77 = arith.constant 0 : i32
      %dma_wait3A_78 = tpu.memref_slice %arg4[%add3A_18, %dma_wait3A_77] : memref<4096x1024xf32, #tpu.memory_space<hbm>> -> memref<32x1024xf32, #tpu.memory_space<hbm>>
      %dma_wait3A_79 = arith.constant 0 : i32
      %dma_wait3A_80 = tpu.memref_slice %arg4[%add3A_18, %dma_wait3A_79] : memref<4096x1024xf32, #tpu.memory_space<hbm>> -> memref<32x1024xf32, #tpu.memory_space<hbm>>
      tpu.wait_dma2 semaphore(%run_scoped3A : memref<!tpu.dma_semaphore, #tpu.memory_space<semaphore_mem>>) src(%arg6 : memref<32x1024xf32, #tpu.memory_space<vmem>>) dst(%dma_wait3A_80 : memref<32x1024xf32, #tpu.memory_space<hbm>>)
      tpu.yield
    }) : () -> ()
    %dma_start3A_19 = arith.constant 1 : i32
    %dma_start3A_20 = arith.constant 0 : i32
    %dma_start3A_21 = tpu.memref_slice %arg5[%dma_start3A_19, %dma_start3A_20] : memref<4x32xi32, #tpu.memory_space<vmem>> -> memref<1x32xi32, #tpu.memory_space<vmem>>
    %dma_start3A_22 = tpu.memref_squeeze %dma_start3A_21 : memref<1x32xi32, #tpu.memory_space<vmem>> -> memref<32xi32, #tpu.memory_space<vmem>>
    %dma_start3A_23 = arith.constant 0 : i32
    %dma_start3A_24 = arith.constant 0 : i32
    %dma_start3A_25 = tpu.memref_slice %arg2[%dma_start3A_23, %dma_start3A_24] : memref<7680x1024xf32, #tpu.memory_space<hbm>> -> memref<7680x1024xf32, #tpu.memory_space<hbm>>
    tpu.enqueue_indirect_dma source(%dma_start3A_25 : memref<7680x1024xf32, #tpu.memory_space<hbm>>) target(%arg6 : memref<32x1024xf32, #tpu.memory_space<vmem>>) offsets(%dma_start3A_22 : memref<32xi32, #tpu.memory_space<vmem>>) semaphore(%arg7 : memref<!tpu.dma_semaphore, #tpu.memory_space<semaphore_mem>>)
    %dma_wait3A_26 = arith.constant 1 : i32
    %dma_wait3A_27 = arith.constant 0 : i32
    %dma_wait3A_28 = tpu.memref_slice %arg5[%dma_wait3A_26, %dma_wait3A_27] : memref<4x32xi32, #tpu.memory_space<vmem>> -> memref<1x32xi32, #tpu.memory_space<vmem>>
    %dma_wait3A_29 = tpu.memref_squeeze %dma_wait3A_28 : memref<1x32xi32, #tpu.memory_space<vmem>> -> memref<32xi32, #tpu.memory_space<vmem>>
    %dma_wait3A_30 = arith.constant 0 : i32
    %dma_wait3A_31 = arith.constant 0 : i32
    %dma_wait3A_32 = tpu.memref_slice %arg2[%dma_wait3A_30, %dma_wait3A_31] : memref<7680x1024xf32, #tpu.memory_space<hbm>> -> memref<7680x1024xf32, #tpu.memory_space<hbm>>
    tpu.wait_indirect_dma semaphore(%arg7 : memref<!tpu.dma_semaphore, #tpu.memory_space<semaphore_mem>>) src(%dma_wait3A_32 : memref<7680x1024xf32, #tpu.memory_space<hbm>>) dst(%arg6 : memref<32x1024xf32, #tpu.memory_space<vmem>>)
    %mul3A_33 = arith.constant 128 : i32
    %mul3A_34 = arith.muli %add3A, %mul3A_33 : i32
    %add3A_35 = arith.constant 32 : i32
    %add3A_36 = arith.addi %mul3A_34, %add3A_35 : i32
    "tpu.region"() ({
      %run_scoped3A = tpu.sem_alloc : memref<!tpu.dma_semaphore, #tpu.memory_space<semaphore_mem>>
      %dma_start3A_73 = arith.constant 0 : i32
      %dma_start3A_74 = tpu.memref_slice %arg4[%add3A_36, %dma_start3A_73] : memref<4096x1024xf32, #tpu.memory_space<hbm>> -> memref<32x1024xf32, #tpu.memory_space<hbm>>
      %dma_start3A_75 = arith.constant 0 : i32
      %dma_start3A_76 = tpu.memref_slice %arg4[%add3A_36, %dma_start3A_75] : memref<4096x1024xf32, #tpu.memory_space<hbm>> -> memref<32x1024xf32, #tpu.memory_space<hbm>>
      tpu.enqueue_dma source(%arg6 : memref<32x1024xf32, #tpu.memory_space<vmem>>) target(%dma_start3A_76 : memref<32x1024xf32, #tpu.memory_space<hbm>>) target_semaphore(%run_scoped3A : memref<!tpu.dma_semaphore, #tpu.memory_space<semaphore_mem>>)
      %dma_wait3A_77 = arith.constant 0 : i32
      %dma_wait3A_78 = tpu.memref_slice %arg4[%add3A_36, %dma_wait3A_77] : memref<4096x1024xf32, #tpu.memory_space<hbm>> -> memref<32x1024xf32, #tpu.memory_space<hbm>>
      %dma_wait3A_79 = arith.constant 0 : i32
      %dma_wait3A_80 = tpu.memref_slice %arg4[%add3A_36, %dma_wait3A_79] : memref<4096x1024xf32, #tpu.memory_space<hbm>> -> memref<32x1024xf32, #tpu.memory_space<hbm>>
      tpu.wait_dma2 semaphore(%run_scoped3A : memref<!tpu.dma_semaphore, #tpu.memory_space<semaphore_mem>>) src(%arg6 : memref<32x1024xf32, #tpu.memory_space<vmem>>) dst(%dma_wait3A_80 : memref<32x1024xf32, #tpu.memory_space<hbm>>)
      tpu.yield
    }) : () -> ()
    %dma_start3A_37 = arith.constant 2 : i32
    %dma_start3A_38 = arith.constant 0 : i32
    %dma_start3A_39 = tpu.memref_slice %arg5[%dma_start3A_37, %dma_start3A_38] : memref<4x32xi32, #tpu.memory_space<vmem>> -> memref<1x32xi32, #tpu.memory_space<vmem>>
    %dma_start3A_40 = tpu.memref_squeeze %dma_start3A_39 : memref<1x32xi32, #tpu.memory_space<vmem>> -> memref<32xi32, #tpu.memory_space<vmem>>
    %dma_start3A_41 = arith.constant 0 : i32
    %dma_start3A_42 = arith.constant 0 : i32
    %dma_start3A_43 = tpu.memref_slice %arg2[%dma_start3A_41, %dma_start3A_42] : memref<7680x1024xf32, #tpu.memory_space<hbm>> -> memref<7680x1024xf32, #tpu.memory_space<hbm>>
    tpu.enqueue_indirect_dma source(%dma_start3A_43 : memref<7680x1024xf32, #tpu.memory_space<hbm>>) target(%arg6 : memref<32x1024xf32, #tpu.memory_space<vmem>>) offsets(%dma_start3A_40 : memref<32xi32, #tpu.memory_space<vmem>>) semaphore(%arg7 : memref<!tpu.dma_semaphore, #tpu.memory_space<semaphore_mem>>)
    %dma_wait3A_44 = arith.constant 2 : i32
    %dma_wait3A_45 = arith.constant 0 : i32
    %dma_wait3A_46 = tpu.memref_slice %arg5[%dma_wait3A_44, %dma_wait3A_45] : memref<4x32xi32, #tpu.memory_space<vmem>> -> memref<1x32xi32, #tpu.memory_space<vmem>>
    %dma_wait3A_47 = tpu.memref_squeeze %dma_wait3A_46 : memref<1x32xi32, #tpu.memory_space<vmem>> -> memref<32xi32, #tpu.memory_space<vmem>>
    %dma_wait3A_48 = arith.constant 0 : i32
    %dma_wait3A_49 = arith.constant 0 : i32
    %dma_wait3A_50 = tpu.memref_slice %arg2[%dma_wait3A_48, %dma_wait3A_49] : memref<7680x1024xf32, #tpu.memory_space<hbm>> -> memref<7680x1024xf32, #tpu.memory_space<hbm>>
    tpu.wait_indirect_dma semaphore(%arg7 : memref<!tpu.dma_semaphore, #tpu.memory_space<semaphore_mem>>) src(%dma_wait3A_50 : memref<7680x1024xf32, #tpu.memory_space<hbm>>) dst(%arg6 : memref<32x1024xf32, #tpu.memory_space<vmem>>)
    %mul3A_51 = arith.constant 128 : i32
    %mul3A_52 = arith.muli %add3A, %mul3A_51 : i32
    %add3A_53 = arith.constant 64 : i32
    %add3A_54 = arith.addi %mul3A_52, %add3A_53 : i32
    "tpu.region"() ({
      %run_scoped3A = tpu.sem_alloc : memref<!tpu.dma_semaphore, #tpu.memory_space<semaphore_mem>>
      %dma_start3A_73 = arith.constant 0 : i32
      %dma_start3A_74 = tpu.memref_slice %arg4[%add3A_54, %dma_start3A_73] : memref<4096x1024xf32, #tpu.memory_space<hbm>> -> memref<32x1024xf32, #tpu.memory_space<hbm>>
      %dma_start3A_75 = arith.constant 0 : i32
      %dma_start3A_76 = tpu.memref_slice %arg4[%add3A_54, %dma_start3A_75] : memref<4096x1024xf32, #tpu.memory_space<hbm>> -> memref<32x1024xf32, #tpu.memory_space<hbm>>
      tpu.enqueue_dma source(%arg6 : memref<32x1024xf32, #tpu.memory_space<vmem>>) target(%dma_start3A_76 : memref<32x1024xf32, #tpu.memory_space<hbm>>) target_semaphore(%run_scoped3A : memref<!tpu.dma_semaphore, #tpu.memory_space<semaphore_mem>>)
      %dma_wait3A_77 = arith.constant 0 : i32
      %dma_wait3A_78 = tpu.memref_slice %arg4[%add3A_54, %dma_wait3A_77] : memref<4096x1024xf32, #tpu.memory_space<hbm>> -> memref<32x1024xf32, #tpu.memory_space<hbm>>
      %dma_wait3A_79 = arith.constant 0 : i32
      %dma_wait3A_80 = tpu.memref_slice %arg4[%add3A_54, %dma_wait3A_79] : memref<4096x1024xf32, #tpu.memory_space<hbm>> -> memref<32x1024xf32, #tpu.memory_space<hbm>>
      tpu.wait_dma2 semaphore(%run_scoped3A : memref<!tpu.dma_semaphore, #tpu.memory_space<semaphore_mem>>) src(%arg6 : memref<32x1024xf32, #tpu.memory_space<vmem>>) dst(%dma_wait3A_80 : memref<32x1024xf32, #tpu.memory_space<hbm>>)
      tpu.yield
    }) : () -> ()
    %dma_start3A_55 = arith.constant 3 : i32
    %dma_start3A_56 = arith.constant 0 : i32
    %dma_start3A_57 = tpu.memref_slice %arg5[%dma_start3A_55, %dma_start3A_56] : memref<4x32xi32, #tpu.memory_space<vmem>> -> memref<1x32xi32, #tpu.memory_space<vmem>>
    %dma_start3A_58 = tpu.memref_squeeze %dma_start3A_57 : memref<1x32xi32, #tpu.memory_space<vmem>> -> memref<32xi32, #tpu.memory_space<vmem>>
    %dma_start3A_59 = arith.constant 0 : i32
    %dma_start3A_60 = arith.constant 0 : i32
    %dma_start3A_61 = tpu.memref_slice %arg2[%dma_start3A_59, %dma_start3A_60] : memref<7680x1024xf32, #tpu.memory_space<hbm>> -> memref<7680x1024xf32, #tpu.memory_space<hbm>>
    tpu.enqueue_indirect_dma source(%dma_start3A_61 : memref<7680x1024xf32, #tpu.memory_space<hbm>>) target(%arg6 : memref<32x1024xf32, #tpu.memory_space<vmem>>) offsets(%dma_start3A_58 : memref<32xi32, #tpu.memory_space<vmem>>) semaphore(%arg7 : memref<!tpu.dma_semaphore, #tpu.memory_space<semaphore_mem>>)
    %dma_wait3A_62 = arith.constant 3 : i32
    %dma_wait3A_63 = arith.constant 0 : i32
    %dma_wait3A_64 = tpu.memref_slice %arg5[%dma_wait3A_62, %dma_wait3A_63] : memref<4x32xi32, #tpu.memory_space<vmem>> -> memref<1x32xi32, #tpu.memory_space<vmem>>
    %dma_wait3A_65 = tpu.memref_squeeze %dma_wait3A_64 : memref<1x32xi32, #tpu.memory_space<vmem>> -> memref<32xi32, #tpu.memory_space<vmem>>
    %dma_wait3A_66 = arith.constant 0 : i32
    %dma_wait3A_67 = arith.constant 0 : i32
    %dma_wait3A_68 = tpu.memref_slice %arg2[%dma_wait3A_66, %dma_wait3A_67] : memref<7680x1024xf32, #tpu.memory_space<hbm>> -> memref<7680x1024xf32, #tpu.memory_space<hbm>>
    tpu.wait_indirect_dma semaphore(%arg7 : memref<!tpu.dma_semaphore, #tpu.memory_space<semaphore_mem>>) src(%dma_wait3A_68 : memref<7680x1024xf32, #tpu.memory_space<hbm>>) dst(%arg6 : memref<32x1024xf32, #tpu.memory_space<vmem>>)
    %mul3A_69 = arith.constant 128 : i32
    %mul3A_70 = arith.muli %add3A, %mul3A_69 : i32
    %add3A_71 = arith.constant 96 : i32
    %add3A_72 = arith.addi %mul3A_70, %add3A_71 : i32
    "tpu.region"() ({
      %run_scoped3A = tpu.sem_alloc : memref<!tpu.dma_semaphore, #tpu.memory_space<semaphore_mem>>
      %dma_start3A_73 = arith.constant 0 : i32
      %dma_start3A_74 = tpu.memref_slice %arg4[%add3A_72, %dma_start3A_73] : memref<4096x1024xf32, #tpu.memory_space<hbm>> -> memref<32x1024xf32, #tpu.memory_space<hbm>>
      %dma_start3A_75 = arith.constant 0 : i32
      %dma_start3A_76 = tpu.memref_slice %arg4[%add3A_72, %dma_start3A_75] : memref<4096x1024xf32, #tpu.memory_space<hbm>> -> memref<32x1024xf32, #tpu.memory_space<hbm>>
      tpu.enqueue_dma source(%arg6 : memref<32x1024xf32, #tpu.memory_space<vmem>>) target(%dma_start3A_76 : memref<32x1024xf32, #tpu.memory_space<hbm>>) target_semaphore(%run_scoped3A : memref<!tpu.dma_semaphore, #tpu.memory_space<semaphore_mem>>)
      %dma_wait3A_77 = arith.constant 0 : i32
      %dma_wait3A_78 = tpu.memref_slice %arg4[%add3A_72, %dma_wait3A_77] : memref<4096x1024xf32, #tpu.memory_space<hbm>> -> memref<32x1024xf32, #tpu.memory_space<hbm>>
      %dma_wait3A_79 = arith.constant 0 : i32
      %dma_wait3A_80 = tpu.memref_slice %arg4[%add3A_72, %dma_wait3A_79] : memref<4096x1024xf32, #tpu.memory_space<hbm>> -> memref<32x1024xf32, #tpu.memory_space<hbm>>
      tpu.wait_dma2 semaphore(%run_scoped3A : memref<!tpu.dma_semaphore, #tpu.memory_space<semaphore_mem>>) src(%arg6 : memref<32x1024xf32, #tpu.memory_space<vmem>>) dst(%dma_wait3A_80 : memref<32x1024xf32, #tpu.memory_space<hbm>>)
      tpu.yield
    }) : () -> ()
    return
  }
}

#map = affine_map<(d0, d1) -> (0, 0)>
module attributes {stable_mosaic.version = 14 : i64} {
  func.func @body(%arg0: i32, %arg1: i32, %arg2: memref<2048x1024xf32, #tpu.memory_space<hbm>>, %arg3: memref<128x32xi32, #tpu.memory_space<hbm>>, %arg4: memref<7680x1024xf32, #tpu.memory_space<hbm>>, %arg5: memref<4x32xi32, #tpu.memory_space<vmem>>, %arg6: memref<32x1024xf32, #tpu.memory_space<vmem>>, %arg7: memref<!tpu.dma_semaphore, #tpu.memory_space<semaphore_mem>>) attributes {dimension_semantics = [#tpu.dimension_semantics<core_parallel>, #tpu.dimension_semantics<subcore_parallel>], iteration_bounds = array<i64: 2, 16>, scalar_prefetch = 0 : i64, scratch_operands = 3 : i64, tpu.core_type = #tpu.core_type<sc_vector_subcore>, window_params = [{transform_indices = #map}, {transform_indices = #map}, {transform_indices = #map}]} {
    %mul3A = arith.constant 2 : i32
    %mul3A_0 = arith.muli %arg1, %mul3A : i32
    %add3A = arith.addi %mul3A_0, %arg0 : i32
    %mul3A_1 = arith.constant 4 : i32
    %mul3A_2 = arith.muli %add3A, %mul3A_1 : i32
    "tpu.region"() ({
      %run_scoped3A = tpu.sem_alloc : memref<!tpu.dma_semaphore, #tpu.memory_space<semaphore_mem>>
      %dma_start3A_68 = arith.constant 0 : i32
      %dma_start3A_69 = tpu.memref_slice %arg3[%mul3A_2, %dma_start3A_68] : memref<128x32xi32, #tpu.memory_space<hbm>> -> memref<4x32xi32, #tpu.memory_space<hbm>>
      %dma_start3A_70 = arith.constant 0 : i32
      %dma_start3A_71 = tpu.memref_slice %arg3[%mul3A_2, %dma_start3A_70] : memref<128x32xi32, #tpu.memory_space<hbm>> -> memref<4x32xi32, #tpu.memory_space<hbm>>
      tpu.enqueue_dma source(%dma_start3A_71 : memref<4x32xi32, #tpu.memory_space<hbm>>) target(%arg5 : memref<4x32xi32, #tpu.memory_space<vmem>>) target_semaphore(%run_scoped3A : memref<!tpu.dma_semaphore, #tpu.memory_space<semaphore_mem>>)
      %dma_wait3A_72 = arith.constant 0 : i32
      %dma_wait3A_73 = tpu.memref_slice %arg3[%mul3A_2, %dma_wait3A_72] : memref<128x32xi32, #tpu.memory_space<hbm>> -> memref<4x32xi32, #tpu.memory_space<hbm>>
      %dma_wait3A_74 = arith.constant 0 : i32
      %dma_wait3A_75 = tpu.memref_slice %arg3[%mul3A_2, %dma_wait3A_74] : memref<128x32xi32, #tpu.memory_space<hbm>> -> memref<4x32xi32, #tpu.memory_space<hbm>>
      tpu.wait_dma2 semaphore(%run_scoped3A : memref<!tpu.dma_semaphore, #tpu.memory_space<semaphore_mem>>) src(%dma_wait3A_75 : memref<4x32xi32, #tpu.memory_space<hbm>>) dst(%arg5 : memref<4x32xi32, #tpu.memory_space<vmem>>)
      tpu.yield
    }) : () -> ()
    %mul3A_3 = arith.constant 128 : i32
    %mul3A_4 = arith.muli %add3A, %mul3A_3 : i32
    %rem3A = arith.constant 2048 : i32
    %rem3A_5 = arith.remsi %mul3A_4, %rem3A : i32
    %add3A_6 = arith.constant 0 : i32
    %add3A_7 = arith.addi %rem3A_5, %add3A_6 : i32
    "tpu.region"() ({
      %run_scoped3A = tpu.sem_alloc : memref<!tpu.dma_semaphore, #tpu.memory_space<semaphore_mem>>
      %dma_start3A_68 = arith.constant 0 : i32
      %dma_start3A_69 = tpu.memref_slice %arg2[%add3A_7, %dma_start3A_68] : memref<2048x1024xf32, #tpu.memory_space<hbm>> -> memref<32x1024xf32, #tpu.memory_space<hbm>>
      %dma_start3A_70 = arith.constant 0 : i32
      %dma_start3A_71 = tpu.memref_slice %arg2[%add3A_7, %dma_start3A_70] : memref<2048x1024xf32, #tpu.memory_space<hbm>> -> memref<32x1024xf32, #tpu.memory_space<hbm>>
      tpu.enqueue_dma source(%dma_start3A_71 : memref<32x1024xf32, #tpu.memory_space<hbm>>) target(%arg6 : memref<32x1024xf32, #tpu.memory_space<vmem>>) target_semaphore(%run_scoped3A : memref<!tpu.dma_semaphore, #tpu.memory_space<semaphore_mem>>)
      %dma_wait3A_72 = arith.constant 0 : i32
      %dma_wait3A_73 = tpu.memref_slice %arg2[%add3A_7, %dma_wait3A_72] : memref<2048x1024xf32, #tpu.memory_space<hbm>> -> memref<32x1024xf32, #tpu.memory_space<hbm>>
      %dma_wait3A_74 = arith.constant 0 : i32
      %dma_wait3A_75 = tpu.memref_slice %arg2[%add3A_7, %dma_wait3A_74] : memref<2048x1024xf32, #tpu.memory_space<hbm>> -> memref<32x1024xf32, #tpu.memory_space<hbm>>
      tpu.wait_dma2 semaphore(%run_scoped3A : memref<!tpu.dma_semaphore, #tpu.memory_space<semaphore_mem>>) src(%dma_wait3A_75 : memref<32x1024xf32, #tpu.memory_space<hbm>>) dst(%arg6 : memref<32x1024xf32, #tpu.memory_space<vmem>>)
      tpu.yield
    }) : () -> ()
    %dma_start3A = arith.constant 0 : i32
    %dma_start3A_8 = arith.constant 0 : i32
    %dma_start3A_9 = tpu.memref_slice %arg5[%dma_start3A, %dma_start3A_8] : memref<4x32xi32, #tpu.memory_space<vmem>> -> memref<1x32xi32, #tpu.memory_space<vmem>>
    %dma_start3A_10 = tpu.memref_squeeze %dma_start3A_9 : memref<1x32xi32, #tpu.memory_space<vmem>> -> memref<32xi32, #tpu.memory_space<vmem>>
    %dma_start3A_11 = arith.constant 0 : i32
    %dma_start3A_12 = arith.constant 0 : i32
    %dma_start3A_13 = tpu.memref_slice %arg4[%dma_start3A_11, %dma_start3A_12] : memref<7680x1024xf32, #tpu.memory_space<hbm>> -> memref<7680x1024xf32, #tpu.memory_space<hbm>>
    tpu.enqueue_indirect_dma source(%arg6 : memref<32x1024xf32, #tpu.memory_space<vmem>>) target(%dma_start3A_13 : memref<7680x1024xf32, #tpu.memory_space<hbm>>) offsets(%dma_start3A_10 : memref<32xi32, #tpu.memory_space<vmem>>) semaphore(%arg7 : memref<!tpu.dma_semaphore, #tpu.memory_space<semaphore_mem>>)
    %dma_wait3A = arith.constant 0 : i32
    %dma_wait3A_14 = arith.constant 0 : i32
    %dma_wait3A_15 = tpu.memref_slice %arg5[%dma_wait3A, %dma_wait3A_14] : memref<4x32xi32, #tpu.memory_space<vmem>> -> memref<1x32xi32, #tpu.memory_space<vmem>>
    %dma_wait3A_16 = tpu.memref_squeeze %dma_wait3A_15 : memref<1x32xi32, #tpu.memory_space<vmem>> -> memref<32xi32, #tpu.memory_space<vmem>>
    %dma_wait3A_17 = arith.constant 0 : i32
    %dma_wait3A_18 = arith.constant 0 : i32
    %dma_wait3A_19 = tpu.memref_slice %arg4[%dma_wait3A_17, %dma_wait3A_18] : memref<7680x1024xf32, #tpu.memory_space<hbm>> -> memref<7680x1024xf32, #tpu.memory_space<hbm>>
    tpu.wait_indirect_dma semaphore(%arg7 : memref<!tpu.dma_semaphore, #tpu.memory_space<semaphore_mem>>) src(%arg6 : memref<32x1024xf32, #tpu.memory_space<vmem>>) dst(%dma_wait3A_19 : memref<7680x1024xf32, #tpu.memory_space<hbm>>)
    %add3A_20 = arith.constant 32 : i32
    %add3A_21 = arith.addi %rem3A_5, %add3A_20 : i32
    "tpu.region"() ({
      %run_scoped3A = tpu.sem_alloc : memref<!tpu.dma_semaphore, #tpu.memory_space<semaphore_mem>>
      %dma_start3A_68 = arith.constant 0 : i32
      %dma_start3A_69 = tpu.memref_slice %arg2[%add3A_21, %dma_start3A_68] : memref<2048x1024xf32, #tpu.memory_space<hbm>> -> memref<32x1024xf32, #tpu.memory_space<hbm>>
      %dma_start3A_70 = arith.constant 0 : i32
      %dma_start3A_71 = tpu.memref_slice %arg2[%add3A_21, %dma_start3A_70] : memref<2048x1024xf32, #tpu.memory_space<hbm>> -> memref<32x1024xf32, #tpu.memory_space<hbm>>
      tpu.enqueue_dma source(%dma_start3A_71 : memref<32x1024xf32, #tpu.memory_space<hbm>>) target(%arg6 : memref<32x1024xf32, #tpu.memory_space<vmem>>) target_semaphore(%run_scoped3A : memref<!tpu.dma_semaphore, #tpu.memory_space<semaphore_mem>>)
      %dma_wait3A_72 = arith.constant 0 : i32
      %dma_wait3A_73 = tpu.memref_slice %arg2[%add3A_21, %dma_wait3A_72] : memref<2048x1024xf32, #tpu.memory_space<hbm>> -> memref<32x1024xf32, #tpu.memory_space<hbm>>
      %dma_wait3A_74 = arith.constant 0 : i32
      %dma_wait3A_75 = tpu.memref_slice %arg2[%add3A_21, %dma_wait3A_74] : memref<2048x1024xf32, #tpu.memory_space<hbm>> -> memref<32x1024xf32, #tpu.memory_space<hbm>>
      tpu.wait_dma2 semaphore(%run_scoped3A : memref<!tpu.dma_semaphore, #tpu.memory_space<semaphore_mem>>) src(%dma_wait3A_75 : memref<32x1024xf32, #tpu.memory_space<hbm>>) dst(%arg6 : memref<32x1024xf32, #tpu.memory_space<vmem>>)
      tpu.yield
    }) : () -> ()
    %dma_start3A_22 = arith.constant 1 : i32
    %dma_start3A_23 = arith.constant 0 : i32
    %dma_start3A_24 = tpu.memref_slice %arg5[%dma_start3A_22, %dma_start3A_23] : memref<4x32xi32, #tpu.memory_space<vmem>> -> memref<1x32xi32, #tpu.memory_space<vmem>>
    %dma_start3A_25 = tpu.memref_squeeze %dma_start3A_24 : memref<1x32xi32, #tpu.memory_space<vmem>> -> memref<32xi32, #tpu.memory_space<vmem>>
    %dma_start3A_26 = arith.constant 0 : i32
    %dma_start3A_27 = arith.constant 0 : i32
    %dma_start3A_28 = tpu.memref_slice %arg4[%dma_start3A_26, %dma_start3A_27] : memref<7680x1024xf32, #tpu.memory_space<hbm>> -> memref<7680x1024xf32, #tpu.memory_space<hbm>>
    tpu.enqueue_indirect_dma source(%arg6 : memref<32x1024xf32, #tpu.memory_space<vmem>>) target(%dma_start3A_28 : memref<7680x1024xf32, #tpu.memory_space<hbm>>) offsets(%dma_start3A_25 : memref<32xi32, #tpu.memory_space<vmem>>) semaphore(%arg7 : memref<!tpu.dma_semaphore, #tpu.memory_space<semaphore_mem>>)
    %dma_wait3A_29 = arith.constant 1 : i32
    %dma_wait3A_30 = arith.constant 0 : i32
    %dma_wait3A_31 = tpu.memref_slice %arg5[%dma_wait3A_29, %dma_wait3A_30] : memref<4x32xi32, #tpu.memory_space<vmem>> -> memref<1x32xi32, #tpu.memory_space<vmem>>
    %dma_wait3A_32 = tpu.memref_squeeze %dma_wait3A_31 : memref<1x32xi32, #tpu.memory_space<vmem>> -> memref<32xi32, #tpu.memory_space<vmem>>
    %dma_wait3A_33 = arith.constant 0 : i32
    %dma_wait3A_34 = arith.constant 0 : i32
    %dma_wait3A_35 = tpu.memref_slice %arg4[%dma_wait3A_33, %dma_wait3A_34] : memref<7680x1024xf32, #tpu.memory_space<hbm>> -> memref<7680x1024xf32, #tpu.memory_space<hbm>>
    tpu.wait_indirect_dma semaphore(%arg7 : memref<!tpu.dma_semaphore, #tpu.memory_space<semaphore_mem>>) src(%arg6 : memref<32x1024xf32, #tpu.memory_space<vmem>>) dst(%dma_wait3A_35 : memref<7680x1024xf32, #tpu.memory_space<hbm>>)
    %add3A_36 = arith.constant 64 : i32
    %add3A_37 = arith.addi %rem3A_5, %add3A_36 : i32
    "tpu.region"() ({
      %run_scoped3A = tpu.sem_alloc : memref<!tpu.dma_semaphore, #tpu.memory_space<semaphore_mem>>
      %dma_start3A_68 = arith.constant 0 : i32
      %dma_start3A_69 = tpu.memref_slice %arg2[%add3A_37, %dma_start3A_68] : memref<2048x1024xf32, #tpu.memory_space<hbm>> -> memref<32x1024xf32, #tpu.memory_space<hbm>>
      %dma_start3A_70 = arith.constant 0 : i32
      %dma_start3A_71 = tpu.memref_slice %arg2[%add3A_37, %dma_start3A_70] : memref<2048x1024xf32, #tpu.memory_space<hbm>> -> memref<32x1024xf32, #tpu.memory_space<hbm>>
      tpu.enqueue_dma source(%dma_start3A_71 : memref<32x1024xf32, #tpu.memory_space<hbm>>) target(%arg6 : memref<32x1024xf32, #tpu.memory_space<vmem>>) target_semaphore(%run_scoped3A : memref<!tpu.dma_semaphore, #tpu.memory_space<semaphore_mem>>)
      %dma_wait3A_72 = arith.constant 0 : i32
      %dma_wait3A_73 = tpu.memref_slice %arg2[%add3A_37, %dma_wait3A_72] : memref<2048x1024xf32, #tpu.memory_space<hbm>> -> memref<32x1024xf32, #tpu.memory_space<hbm>>
      %dma_wait3A_74 = arith.constant 0 : i32
      %dma_wait3A_75 = tpu.memref_slice %arg2[%add3A_37, %dma_wait3A_74] : memref<2048x1024xf32, #tpu.memory_space<hbm>> -> memref<32x1024xf32, #tpu.memory_space<hbm>>
      tpu.wait_dma2 semaphore(%run_scoped3A : memref<!tpu.dma_semaphore, #tpu.memory_space<semaphore_mem>>) src(%dma_wait3A_75 : memref<32x1024xf32, #tpu.memory_space<hbm>>) dst(%arg6 : memref<32x1024xf32, #tpu.memory_space<vmem>>)
      tpu.yield
    }) : () -> ()
    %dma_start3A_38 = arith.constant 2 : i32
    %dma_start3A_39 = arith.constant 0 : i32
    %dma_start3A_40 = tpu.memref_slice %arg5[%dma_start3A_38, %dma_start3A_39] : memref<4x32xi32, #tpu.memory_space<vmem>> -> memref<1x32xi32, #tpu.memory_space<vmem>>
    %dma_start3A_41 = tpu.memref_squeeze %dma_start3A_40 : memref<1x32xi32, #tpu.memory_space<vmem>> -> memref<32xi32, #tpu.memory_space<vmem>>
    %dma_start3A_42 = arith.constant 0 : i32
    %dma_start3A_43 = arith.constant 0 : i32
    %dma_start3A_44 = tpu.memref_slice %arg4[%dma_start3A_42, %dma_start3A_43] : memref<7680x1024xf32, #tpu.memory_space<hbm>> -> memref<7680x1024xf32, #tpu.memory_space<hbm>>
    tpu.enqueue_indirect_dma source(%arg6 : memref<32x1024xf32, #tpu.memory_space<vmem>>) target(%dma_start3A_44 : memref<7680x1024xf32, #tpu.memory_space<hbm>>) offsets(%dma_start3A_41 : memref<32xi32, #tpu.memory_space<vmem>>) semaphore(%arg7 : memref<!tpu.dma_semaphore, #tpu.memory_space<semaphore_mem>>)
    %dma_wait3A_45 = arith.constant 2 : i32
    %dma_wait3A_46 = arith.constant 0 : i32
    %dma_wait3A_47 = tpu.memref_slice %arg5[%dma_wait3A_45, %dma_wait3A_46] : memref<4x32xi32, #tpu.memory_space<vmem>> -> memref<1x32xi32, #tpu.memory_space<vmem>>
    %dma_wait3A_48 = tpu.memref_squeeze %dma_wait3A_47 : memref<1x32xi32, #tpu.memory_space<vmem>> -> memref<32xi32, #tpu.memory_space<vmem>>
    %dma_wait3A_49 = arith.constant 0 : i32
    %dma_wait3A_50 = arith.constant 0 : i32
    %dma_wait3A_51 = tpu.memref_slice %arg4[%dma_wait3A_49, %dma_wait3A_50] : memref<7680x1024xf32, #tpu.memory_space<hbm>> -> memref<7680x1024xf32, #tpu.memory_space<hbm>>
    tpu.wait_indirect_dma semaphore(%arg7 : memref<!tpu.dma_semaphore, #tpu.memory_space<semaphore_mem>>) src(%arg6 : memref<32x1024xf32, #tpu.memory_space<vmem>>) dst(%dma_wait3A_51 : memref<7680x1024xf32, #tpu.memory_space<hbm>>)
    %add3A_52 = arith.constant 96 : i32
    %add3A_53 = arith.addi %rem3A_5, %add3A_52 : i32
    "tpu.region"() ({
      %run_scoped3A = tpu.sem_alloc : memref<!tpu.dma_semaphore, #tpu.memory_space<semaphore_mem>>
      %dma_start3A_68 = arith.constant 0 : i32
      %dma_start3A_69 = tpu.memref_slice %arg2[%add3A_53, %dma_start3A_68] : memref<2048x1024xf32, #tpu.memory_space<hbm>> -> memref<32x1024xf32, #tpu.memory_space<hbm>>
      %dma_start3A_70 = arith.constant 0 : i32
      %dma_start3A_71 = tpu.memref_slice %arg2[%add3A_53, %dma_start3A_70] : memref<2048x1024xf32, #tpu.memory_space<hbm>> -> memref<32x1024xf32, #tpu.memory_space<hbm>>
      tpu.enqueue_dma source(%dma_start3A_71 : memref<32x1024xf32, #tpu.memory_space<hbm>>) target(%arg6 : memref<32x1024xf32, #tpu.memory_space<vmem>>) target_semaphore(%run_scoped3A : memref<!tpu.dma_semaphore, #tpu.memory_space<semaphore_mem>>)
      %dma_wait3A_72 = arith.constant 0 : i32
      %dma_wait3A_73 = tpu.memref_slice %arg2[%add3A_53, %dma_wait3A_72] : memref<2048x1024xf32, #tpu.memory_space<hbm>> -> memref<32x1024xf32, #tpu.memory_space<hbm>>
      %dma_wait3A_74 = arith.constant 0 : i32
      %dma_wait3A_75 = tpu.memref_slice %arg2[%add3A_53, %dma_wait3A_74] : memref<2048x1024xf32, #tpu.memory_space<hbm>> -> memref<32x1024xf32, #tpu.memory_space<hbm>>
      tpu.wait_dma2 semaphore(%run_scoped3A : memref<!tpu.dma_semaphore, #tpu.memory_space<semaphore_mem>>) src(%dma_wait3A_75 : memref<32x1024xf32, #tpu.memory_space<hbm>>) dst(%arg6 : memref<32x1024xf32, #tpu.memory_space<vmem>>)
      tpu.yield
    }) : () -> ()
    %dma_start3A_54 = arith.constant 3 : i32
    %dma_start3A_55 = arith.constant 0 : i32
    %dma_start3A_56 = tpu.memref_slice %arg5[%dma_start3A_54, %dma_start3A_55] : memref<4x32xi32, #tpu.memory_space<vmem>> -> memref<1x32xi32, #tpu.memory_space<vmem>>
    %dma_start3A_57 = tpu.memref_squeeze %dma_start3A_56 : memref<1x32xi32, #tpu.memory_space<vmem>> -> memref<32xi32, #tpu.memory_space<vmem>>
    %dma_start3A_58 = arith.constant 0 : i32
    %dma_start3A_59 = arith.constant 0 : i32
    %dma_start3A_60 = tpu.memref_slice %arg4[%dma_start3A_58, %dma_start3A_59] : memref<7680x1024xf32, #tpu.memory_space<hbm>> -> memref<7680x1024xf32, #tpu.memory_space<hbm>>
    tpu.enqueue_indirect_dma source(%arg6 : memref<32x1024xf32, #tpu.memory_space<vmem>>) target(%dma_start3A_60 : memref<7680x1024xf32, #tpu.memory_space<hbm>>) offsets(%dma_start3A_57 : memref<32xi32, #tpu.memory_space<vmem>>) semaphore(%arg7 : memref<!tpu.dma_semaphore, #tpu.memory_space<semaphore_mem>>)
    %dma_wait3A_61 = arith.constant 3 : i32
    %dma_wait3A_62 = arith.constant 0 : i32
    %dma_wait3A_63 = tpu.memref_slice %arg5[%dma_wait3A_61, %dma_wait3A_62] : memref<4x32xi32, #tpu.memory_space<vmem>> -> memref<1x32xi32, #tpu.memory_space<vmem>>
    %dma_wait3A_64 = tpu.memref_squeeze %dma_wait3A_63 : memref<1x32xi32, #tpu.memory_space<vmem>> -> memref<32xi32, #tpu.memory_space<vmem>>
    %dma_wait3A_65 = arith.constant 0 : i32
    %dma_wait3A_66 = arith.constant 0 : i32
    %dma_wait3A_67 = tpu.memref_slice %arg4[%dma_wait3A_65, %dma_wait3A_66] : memref<7680x1024xf32, #tpu.memory_space<hbm>> -> memref<7680x1024xf32, #tpu.memory_space<hbm>>
    tpu.wait_indirect_dma semaphore(%arg7 : memref<!tpu.dma_semaphore, #tpu.memory_space<semaphore_mem>>) src(%arg6 : memref<32x1024xf32, #tpu.memory_space<vmem>>) dst(%dma_wait3A_67 : memref<7680x1024xf32, #tpu.memory_space<hbm>>)
    return
  }
}

module attributes {stable_mosaic.version = 14 : i64} {
  func.func @_ffn_grouped_body(%arg0: i32, %arg1: i32, %arg2: memref<16xi32, #tpu.memory_space<smem>>, %arg3: memref<512x1024xf32, #tpu.memory_space<vmem>>, %arg4: memref<1x688x1024xf32, #tpu.memory_space<vmem>>, %arg5: memref<1x688x1024xf32, #tpu.memory_space<vmem>>, %arg6: memref<1x688x1024xf32, #tpu.memory_space<vmem>>, %arg7: memref<512x1024xf32, #tpu.memory_space<vmem>>) attributes {dimension_semantics = [#tpu.dimension_semantics<arbitrary>, #tpu.dimension_semantics<arbitrary>], iteration_bounds = array<i64: 15, 4>, scalar_prefetch = 1 : i64, scratch_operands = 0 : i64, tpu.core_type = #tpu.core_type<tc>, window_params = [{transform_indices = @transform_0, window_bounds = array<i64: 512, 1024>}, {transform_indices = @transform_1, window_bounds = array<i64: 1, 688, 1024>}, {transform_indices = @transform_2, window_bounds = array<i64: 1, 688, 1024>}, {transform_indices = @transform_3, window_bounds = array<i64: 1, 688, 1024>}, {transform_indices = @transform_4, window_bounds = array<i64: 512, 1024>}]} {
    %get3A = arith.constant 15 : index
    %get3A_0 = memref.load %arg2[%get3A] : memref<16xi32, #tpu.memory_space<smem>>
    %lt3A = arith.cmpi slt, %arg0, %get3A_0 : i32
    %convert_element_type3A = arith.extui %lt3A : i1 to i32
    %cond3A = arith.constant 0 : i32
    %cond3A_1 = arith.cmpi ne, %convert_element_type3A, %cond3A : i32
    scf.if %cond3A_1 {
      %get3A_2 = arith.constant 0 : index
      %get3A_3 = arith.constant 0 : index
      %get3A_4 = vector.load %arg3[%get3A_2, %get3A_3] : memref<512x1024xf32, #tpu.memory_space<vmem>>, vector<512x1024xf32>
      %get3A_5 = arith.constant 0 : index
      %get3A_6 = arith.constant 0 : index
      %get3A_7 = arith.constant 0 : index
      %get3A_8 = vector.load %arg4[%get3A_5, %get3A_6, %get3A_7] : memref<1x688x1024xf32, #tpu.memory_space<vmem>>, vector<1x688x1024xf32>
      %get3A_9 = vector.shape_cast %get3A_8 : vector<1x688x1024xf32> to vector<688x1024xf32>
      %dot_general3A = arith.constant dense<0.000000e+00> : vector<512x688xf32>
      %dot_general3A_10 = tpu.matmul %get3A_4, %get3A_9, %dot_general3A {dimension_numbers = #tpu.dot_dimension_numbers<[1], [1], [0], [0], [0, 0, 1, 0], [], []>, transpose_lhs_hint = false} : vector<512x1024xf32>, vector<688x1024xf32>, vector<512x688xf32> -> vector<512x688xf32>
      %get3A_11 = arith.constant 0 : index
      %get3A_12 = arith.constant 0 : index
      %get3A_13 = arith.constant 0 : index
      %get3A_14 = vector.load %arg5[%get3A_11, %get3A_12, %get3A_13] : memref<1x688x1024xf32, #tpu.memory_space<vmem>>, vector<1x688x1024xf32>
      %get3A_15 = vector.shape_cast %get3A_14 : vector<1x688x1024xf32> to vector<688x1024xf32>
      %dot_general3A_16 = arith.constant dense<0.000000e+00> : vector<512x688xf32>
      %dot_general3A_17 = tpu.matmul %get3A_4, %get3A_15, %dot_general3A_16 {dimension_numbers = #tpu.dot_dimension_numbers<[1], [1], [0], [0], [0, 0, 1, 0], [], []>, transpose_lhs_hint = false} : vector<512x1024xf32>, vector<688x1024xf32>, vector<512x688xf32> -> vector<512x688xf32>
      %logistic3A = arith.negf %dot_general3A_10 : vector<512x688xf32>
      %logistic3A_18 = math.exp %logistic3A : vector<512x688xf32>
      %logistic3A_19 = arith.constant 1.000000e+00 : f32
      %logistic3A_20 = vector.broadcast %logistic3A_19 : f32 to vector<512x688xf32>
      %logistic3A_21 = arith.addf %logistic3A_20, %logistic3A_18 : vector<512x688xf32>
      %logistic3A_22 = arith.divf %logistic3A_20, %logistic3A_21 : vector<512x688xf32>
      %mul3A = arith.mulf %dot_general3A_10, %logistic3A_22 : vector<512x688xf32>
      %mul3A_23 = arith.mulf %mul3A, %dot_general3A_17 : vector<512x688xf32>
      %get3A_24 = arith.constant 0 : index
      %get3A_25 = arith.constant 0 : index
      %get3A_26 = arith.constant 0 : index
      %get3A_27 = vector.load %arg6[%get3A_24, %get3A_25, %get3A_26] : memref<1x688x1024xf32, #tpu.memory_space<vmem>>, vector<1x688x1024xf32>
      %get3A_28 = vector.shape_cast %get3A_27 : vector<1x688x1024xf32> to vector<688x1024xf32>
      %dot_general3A_29 = arith.constant dense<0.000000e+00> : vector<512x1024xf32>
      %dot_general3A_30 = tpu.matmul %mul3A_23, %get3A_28, %dot_general3A_29 {dimension_numbers = #tpu.dot_dimension_numbers<[1], [0], [0], [1], [0, 0, 1, 1], [], []>, transpose_lhs_hint = false} : vector<512x688xf32>, vector<688x1024xf32>, vector<512x1024xf32> -> vector<512x1024xf32>
      %eq3A = arith.constant 0 : i32
      %eq3A_31 = arith.cmpi eq, %arg1, %eq3A : i32
      %convert_element_type3A_32 = arith.extui %eq3A_31 : i1 to i32
      %cond3A_33 = arith.constant 0 : i32
      %cond3A_34 = arith.cmpi ne, %convert_element_type3A_32, %cond3A_33 : i32
      scf.if %cond3A_34 {
        %swap3A = arith.constant 0 : index
        %swap3A_39 = arith.constant 0 : index
        %swap3A_40 = vector.load %arg7[%swap3A, %swap3A_39] : memref<512x1024xf32, #tpu.memory_space<vmem>>, vector<512x1024xf32>
        tpu.vector_store %arg7[%swap3A, %swap3A_39], %dot_general3A_30 {strides = array<i32>} : memref<512x1024xf32, #tpu.memory_space<vmem>>, vector<512x1024xf32>,
      } else {
      }
      %gt3A = arith.constant 0 : i32
      %gt3A_35 = arith.cmpi sgt, %arg1, %gt3A : i32
      %convert_element_type3A_36 = arith.extui %gt3A_35 : i1 to i32
      %cond3A_37 = arith.constant 0 : i32
      %cond3A_38 = arith.cmpi ne, %convert_element_type3A_36, %cond3A_37 : i32
      scf.if %cond3A_38 {
        %get3A_39 = arith.constant 0 : index
        %get3A_40 = arith.constant 0 : index
        %get3A_41 = vector.load %arg7[%get3A_39, %get3A_40] : memref<512x1024xf32, #tpu.memory_space<vmem>>, vector<512x1024xf32>
        %add3A = arith.addf %get3A_41, %dot_general3A_30 : vector<512x1024xf32>
        %swap3A = arith.constant 0 : index
        %swap3A_42 = arith.constant 0 : index
        %swap3A_43 = vector.load %arg7[%swap3A, %swap3A_42] : memref<512x1024xf32, #tpu.memory_space<vmem>>, vector<512x1024xf32>
        tpu.vector_store %arg7[%swap3A, %swap3A_42], %add3A {strides = array<i32>} : memref<512x1024xf32, #tpu.memory_space<vmem>>, vector<512x1024xf32>,
      } else {
      }
    } else {
    }
    return
  }
  func.func @transform_0(%arg0: i32, %arg1: i32, %arg2: memref<16xi32, #tpu.memory_space<smem>>) -> (i32, i32) {
    %get3A = arith.constant 15 : index
    %get3A_0 = memref.load %arg2[%get3A] : memref<16xi32, #tpu.memory_space<smem>>
    %sub3A = arith.constant 1 : i32
    %sub3A_1 = arith.subi %get3A_0, %sub3A : i32
    %min3A = arith.minsi %arg0, %sub3A_1 : i32
    %c0_i32 = arith.constant 0 : i32
    %c0_i32_2 = arith.constant 0 : i32
    return %min3A, %c0_i32 : i32, i32
  }
  func.func @transform_1(%arg0: i32, %arg1: i32, %arg2: memref<16xi32, #tpu.memory_space<smem>>) -> (i32, i32, i32) {
    %get3A = arith.index_cast %arg0 : i32 to index
    %get3A_0 = memref.load %arg2[%get3A] : memref<16xi32, #tpu.memory_space<smem>>
    %get3A_1 = arith.constant 15 : index
    %get3A_2 = memref.load %arg2[%get3A_1] : memref<16xi32, #tpu.memory_space<smem>>
    %lt3A = arith.cmpi slt, %arg0, %get3A_2 : i32
    %jit3A = arith.constant 3 : i32
    %select_n3A = arith.select %lt3A, %arg1, %jit3A : i32
    %c0_i32 = arith.constant 0 : i32
    %c0_i32_3 = arith.constant 0 : i32
    return %get3A_0, %select_n3A, %c0_i32 : i32, i32, i32
  }
  func.func @transform_2(%arg0: i32, %arg1: i32, %arg2: memref<16xi32, #tpu.memory_space<smem>>) -> (i32, i32, i32) {
    %get3A = arith.index_cast %arg0 : i32 to index
    %get3A_0 = memref.load %arg2[%get3A] : memref<16xi32, #tpu.memory_space<smem>>
    %get3A_1 = arith.constant 15 : index
    %get3A_2 = memref.load %arg2[%get3A_1] : memref<16xi32, #tpu.memory_space<smem>>
    %lt3A = arith.cmpi slt, %arg0, %get3A_2 : i32
    %jit3A = arith.constant 3 : i32
    %select_n3A = arith.select %lt3A, %arg1, %jit3A : i32
    %c0_i32 = arith.constant 0 : i32
    %c0_i32_3 = arith.constant 0 : i32
    return %get3A_0, %select_n3A, %c0_i32 : i32, i32, i32
  }
  func.func @transform_3(%arg0: i32, %arg1: i32, %arg2: memref<16xi32, #tpu.memory_space<smem>>) -> (i32, i32, i32) {
    %get3A = arith.index_cast %arg0 : i32 to index
    %get3A_0 = memref.load %arg2[%get3A] : memref<16xi32, #tpu.memory_space<smem>>
    %get3A_1 = arith.constant 15 : index
    %get3A_2 = memref.load %arg2[%get3A_1] : memref<16xi32, #tpu.memory_space<smem>>
    %lt3A = arith.cmpi slt, %arg0, %get3A_2 : i32
    %jit3A = arith.constant 3 : i32
    %select_n3A = arith.select %lt3A, %arg1, %jit3A : i32
    %c0_i32 = arith.constant 0 : i32
    %c0_i32_3 = arith.constant 0 : i32
    return %get3A_0, %select_n3A, %c0_i32 : i32, i32, i32
  }
  func.func @transform_4(%arg0: i32, %arg1: i32, %arg2: memref<16xi32, #tpu.memory_space<smem>>) -> (i32, i32) {
    %get3A = arith.constant 15 : index
    %get3A_0 = memref.load %arg2[%get3A] : memref<16xi32, #tpu.memory_space<smem>>
    %sub3A = arith.constant 1 : i32
    %sub3A_1 = arith.subi %get3A_0, %sub3A : i32
    %min3A = arith.minsi %arg0, %sub3A_1 : i32
    %c0_i32 = arith.constant 0 : i32
    %c0_i32_2 = arith.constant 0 : i32
    return %min3A, %c0_i32 : i32, i32
  }
}

module attributes {stable_mosaic.version = 14 : i64} {
  func.func @_router_body(%arg0: i32, %arg1: memref<2048x1024xf32, #tpu.memory_space<vmem>>, %arg2: memref<8x1024xf32, #tpu.memory_space<vmem>>, %arg3: memref<2048x2xi32, #tpu.memory_space<vmem>>, %arg4: memref<2048x2xf32, #tpu.memory_space<vmem>>, %arg5: memref<1x16xi32, #tpu.memory_space<vmem>>) attributes {dimension_semantics = [#tpu.dimension_semantics<arbitrary>], iteration_bounds = array<i64: 1>, scalar_prefetch = 0 : i64, scratch_operands = 0 : i64, tpu.core_type = #tpu.core_type<tc>, window_params = [{pipeline_mode = #tpu.pipeline_mode<synchronous>, transform_indices = @transform_0, window_bounds = array<i64: 2048, 1024>}, {pipeline_mode = #tpu.pipeline_mode<synchronous>, transform_indices = @transform_1, window_bounds = array<i64: 8, 1024>}, {pipeline_mode = #tpu.pipeline_mode<synchronous>, transform_indices = @transform_2, window_bounds = array<i64: 2048, 2>}, {pipeline_mode = #tpu.pipeline_mode<synchronous>, transform_indices = @transform_3, window_bounds = array<i64: 2048, 2>}, {pipeline_mode = #tpu.pipeline_mode<synchronous>, transform_indices = @transform_4, window_bounds = array<i64: 1, 16>}]} {
    %get3A = arith.constant 0 : index
    %get3A_0 = arith.constant 0 : index
    %get3A_1 = vector.load %arg1[%get3A, %get3A_0] : memref<2048x1024xf32, #tpu.memory_space<vmem>>, vector<2048x1024xf32>
    %get3A_2 = arith.constant 0 : index
    %get3A_3 = arith.constant 0 : index
    %get3A_4 = vector.load %arg2[%get3A_2, %get3A_3] : memref<8x1024xf32, #tpu.memory_space<vmem>>, vector<8x1024xf32>
    %dot_general3A = arith.constant dense<0.000000e+00> : vector<2048x8xf32>
    %dot_general3A_5 = tpu.matmul %get3A_1, %get3A_4, %dot_general3A {dimension_numbers = #tpu.dot_dimension_numbers<[1], [1], [0], [0], [0, 0, 1, 0], [], []>, transpose_lhs_hint = false} : vector<2048x1024xf32>, vector<8x1024xf32>, vector<2048x8xf32> -> vector<2048x8xf32>
    %reduce_max3A = arith.constant dense<0xFF800000> : vector<2048xf32>
    %reduce_max3A_6 = vector.multi_reduction <maximumf>, %dot_general3A_5, %reduce_max3A [1] : vector<2048x8xf32> to vector<2048xf32>
    %max3A = arith.constant 0xFF800000 : f32
    %max3A_7 = vector.broadcast %max3A : f32 to vector<2048xf32>
    %max3A_8 = arith.maximumf %max3A_7, %reduce_max3A_6 : vector<2048xf32>
    %broadcast_in_dim3A = vector.shape_cast %max3A_8 : vector<2048xf32> to vector<2048x1xf32>
    %sub3A = vector.broadcast %broadcast_in_dim3A : vector<2048x1xf32> to vector<2048x8xf32>
    %sub3A_9 = arith.subf %dot_general3A_5, %sub3A : vector<2048x8xf32>
    %exp3A = math.exp %sub3A_9 : vector<2048x8xf32>
    %reduce_sum3A = arith.constant dense<0.000000e+00> : vector<2048xf32>
    %reduce_sum3A_10 = vector.multi_reduction <add>, %exp3A, %reduce_sum3A [1] : vector<2048x8xf32> to vector<2048xf32>
    %broadcast_in_dim3A_11 = vector.shape_cast %reduce_sum3A_10 : vector<2048xf32> to vector<2048x1xf32>
    %div3A = vector.broadcast %broadcast_in_dim3A_11 : vector<2048x1xf32> to vector<2048x8xf32>
    %div3A_12 = arith.divf %exp3A, %div3A : vector<2048x8xf32>
    %iota3A = tpu.iota {dimensions = array<i32: 1>} : vector<2048x8xi32>
    %reduce_max3A_13 = arith.constant dense<0xFF800000> : vector<2048xf32>
    %reduce_max3A_14 = vector.multi_reduction <maximumf>, %div3A_12, %reduce_max3A_13 [1] : vector<2048x8xf32> to vector<2048xf32>
    %broadcast_in_dim3A_15 = vector.shape_cast %reduce_max3A_14 : vector<2048xf32> to vector<2048x1xf32>
    %eq3A = vector.broadcast %broadcast_in_dim3A_15 : vector<2048x1xf32> to vector<2048x8xf32>
    %eq3A_16 = arith.cmpf oeq, %div3A_12, %eq3A : vector<2048x8xf32>
    %jit3A = arith.constant 8 : i32
    %broadcast_in_dim3A_17 = vector.broadcast %jit3A : i32 to vector<2048x8xi32>
    %select_n3A = arith.select %eq3A_16, %iota3A, %broadcast_in_dim3A_17 : vector<2048x8xi1>, vector<2048x8xi32>
    %reduce_min3A = arith.constant dense<2147483647> : vector<2048xi32>
    %reduce_min3A_18 = vector.multi_reduction <minsi>, %select_n3A, %reduce_min3A [1] : vector<2048x8xi32> to vector<2048xi32>
    %broadcast_in_dim3A_19 = vector.shape_cast %reduce_min3A_18 : vector<2048xi32> to vector<2048x1xi32>
    %eq3A_20 = vector.broadcast %broadcast_in_dim3A_19 : vector<2048x1xi32> to vector<2048x8xi32>
    %eq3A_21 = arith.cmpi eq, %iota3A, %eq3A_20 : vector<2048x8xi32>
    %jit3A_22 = arith.constant 0xFF800000 : f32
    %broadcast_in_dim3A_23 = vector.broadcast %jit3A_22 : f32 to vector<2048x8xf32>
    %select_n3A_24 = arith.select %eq3A_21, %broadcast_in_dim3A_23, %div3A_12 : vector<2048x8xi1>, vector<2048x8xf32>
    %reduce_max3A_25 = arith.constant dense<0xFF800000> : vector<2048xf32>
    %reduce_max3A_26 = vector.multi_reduction <maximumf>, %select_n3A_24, %reduce_max3A_25 [1] : vector<2048x8xf32> to vector<2048xf32>
    %broadcast_in_dim3A_27 = vector.shape_cast %reduce_max3A_26 : vector<2048xf32> to vector<2048x1xf32>
    %eq3A_28 = vector.broadcast %broadcast_in_dim3A_27 : vector<2048x1xf32> to vector<2048x8xf32>
    %eq3A_29 = arith.cmpf oeq, %select_n3A_24, %eq3A_28 : vector<2048x8xf32>
    %jit3A_30 = arith.constant 8 : i32
    %broadcast_in_dim3A_31 = vector.broadcast %jit3A_30 : i32 to vector<2048x8xi32>
    %select_n3A_32 = arith.select %eq3A_29, %iota3A, %broadcast_in_dim3A_31 : vector<2048x8xi1>, vector<2048x8xi32>
    %reduce_min3A_33 = arith.constant dense<2147483647> : vector<2048xi32>
    %reduce_min3A_34 = vector.multi_reduction <minsi>, %select_n3A_32, %reduce_min3A_33 [1] : vector<2048x8xi32> to vector<2048xi32>
    %broadcast_in_dim3A_35 = vector.shape_cast %reduce_min3A_34 : vector<2048xi32> to vector<2048x1xi32>
    %add3A = arith.addf %broadcast_in_dim3A_15, %broadcast_in_dim3A_27 : vector<2048x1xf32>
    %add3A_36 = arith.constant 9.99999968E-21 : f32
    %add3A_37 = vector.broadcast %add3A_36 : f32 to vector<2048x1xf32>
    %add3A_38 = arith.addf %add3A, %add3A_37 : vector<2048x1xf32>
    %div3A_39 = arith.divf %broadcast_in_dim3A_15, %add3A_38 : vector<2048x1xf32>
    %div3A_40 = arith.divf %broadcast_in_dim3A_27, %add3A_38 : vector<2048x1xf32>
    %eq3A_41 = vector.broadcast %broadcast_in_dim3A_19 : vector<2048x1xi32> to vector<2048x8xi32>
    %eq3A_42 = arith.cmpi eq, %iota3A, %eq3A_41 : vector<2048x8xi32>
    %convert_element_type3A = arith.extui %eq3A_42 : vector<2048x8xi1> to vector<2048x8xi32>
    %convert_element_type3A_43 = arith.sitofp %convert_element_type3A : vector<2048x8xi32> to vector<2048x8xf32>
    %eq3A_44 = vector.broadcast %broadcast_in_dim3A_35 : vector<2048x1xi32> to vector<2048x8xi32>
    %eq3A_45 = arith.cmpi eq, %iota3A, %eq3A_44 : vector<2048x8xi32>
    %convert_element_type3A_46 = arith.extui %eq3A_45 : vector<2048x8xi1> to vector<2048x8xi32>
    %convert_element_type3A_47 = arith.sitofp %convert_element_type3A_46 : vector<2048x8xi32> to vector<2048x8xf32>
    %concatenate3A = tpu.concatenate %convert_element_type3A_43, %convert_element_type3A_47 in 0 : vector<2048x8xf32>, vector<2048x8xf32> -> vector<4096x8xf32>
    %reduce_sum3A_48 = arith.constant dense<0.000000e+00> : vector<8xf32>
    %reduce_sum3A_49 = vector.multi_reduction <add>, %concatenate3A, %reduce_sum3A_48 [0] : vector<4096x8xf32> to vector<8xf32>
    %broadcast_in_dim3A_50 = vector.shape_cast %reduce_sum3A_49 : vector<8xf32> to vector<1x8xf32>
    %add3A_51 = arith.constant 5.110000e+02 : f32
    %add3A_52 = vector.broadcast %add3A_51 : f32 to vector<1x8xf32>
    %add3A_53 = arith.addf %broadcast_in_dim3A_50, %add3A_52 : vector<1x8xf32>
    %div3A_54 = arith.constant 5.120000e+02 : f32
    %div3A_55 = vector.broadcast %div3A_54 : f32 to vector<1x8xf32>
    %div3A_56 = arith.divf %add3A_53, %div3A_55 : vector<1x8xf32>
    %floor3A = math.floor %div3A_56 : vector<1x8xf32>
    %iota3A_57 = tpu.iota {dimensions = array<i32: 0>} : vector<8x8xi32>
    %iota3A_58 = tpu.iota {dimensions = array<i32: 1>} : vector<8x8xi32>
    %eq3A_59 = arith.cmpi eq, %iota3A_57, %iota3A_58 : vector<8x8xi32>
    %convert_element_type3A_60 = arith.extui %eq3A_59 : vector<8x8xi1> to vector<8x8xi32>
    %convert_element_type3A_61 = arith.sitofp %convert_element_type3A_60 : vector<8x8xi32> to vector<8x8xf32>
    %mul3A = vector.broadcast %floor3A : vector<1x8xf32> to vector<8x8xf32>
    %mul3A_62 = arith.mulf %convert_element_type3A_61, %mul3A : vector<8x8xf32>
    %reduce_sum3A_63 = arith.constant dense<0.000000e+00> : vector<8xf32>
    %reduce_sum3A_64 = vector.multi_reduction <add>, %mul3A_62, %reduce_sum3A_63 [1] : vector<8x8xf32> to vector<8xf32>
    %broadcast_in_dim3A_65 = vector.shape_cast %reduce_sum3A_64 : vector<8xf32> to vector<8x1xf32>
    %iota3A_66 = tpu.iota {dimensions = array<i32: 0>} : vector<8x8xi32>
    %iota3A_67 = tpu.iota {dimensions = array<i32: 1>} : vector<8x8xi32>
    %gt3A = arith.cmpi sgt, %iota3A_66, %iota3A_67 : vector<8x8xi32>
    %convert_element_type3A_68 = arith.extui %gt3A : vector<8x8xi1> to vector<8x8xi32>
    %convert_element_type3A_69 = arith.sitofp %convert_element_type3A_68 : vector<8x8xi32> to vector<8x8xf32>
    %iota3A_70 = tpu.iota {dimensions = array<i32: 0>} : vector<8x8xi32>
    %iota3A_71 = tpu.iota {dimensions = array<i32: 1>} : vector<8x8xi32>
    %ge3A = arith.cmpi sge, %iota3A_70, %iota3A_71 : vector<8x8xi32>
    %convert_element_type3A_72 = arith.extui %ge3A : vector<8x8xi1> to vector<8x8xi32>
    %convert_element_type3A_73 = arith.sitofp %convert_element_type3A_72 : vector<8x8xi32> to vector<8x8xf32>
    %dot_general3A_74 = arith.constant dense<0.000000e+00> : vector<8x1xf32>
    %dot_general3A_75 = tpu.matmul %convert_element_type3A_69, %broadcast_in_dim3A_65, %dot_general3A_74 {dimension_numbers = #tpu.dot_dimension_numbers<[1], [0], [0], [1], [0, 0, 1, 1], [], []>, transpose_lhs_hint = false} : vector<8x8xf32>, vector<8x1xf32>, vector<8x1xf32> -> vector<8x1xf32>
    %mul3A_76 = arith.constant 5.120000e+02 : f32
    %mul3A_77 = vector.broadcast %mul3A_76 : f32 to vector<8x1xf32>
    %mul3A_78 = arith.mulf %dot_general3A_75, %mul3A_77 : vector<8x1xf32>
    %dot_general3A_79 = arith.constant dense<0.000000e+00> : vector<8x1xf32>
    %dot_general3A_80 = tpu.matmul %convert_element_type3A_73, %broadcast_in_dim3A_65, %dot_general3A_79 {dimension_numbers = #tpu.dot_dimension_numbers<[1], [0], [0], [1], [0, 0, 1, 1], [], []>, transpose_lhs_hint = false} : vector<8x8xf32>, vector<8x1xf32>, vector<8x1xf32> -> vector<8x1xf32>
    %mul3A_81 = vector.broadcast %mul3A_78 : vector<8x1xf32> to vector<8x8xf32>
    %mul3A_82 = arith.mulf %convert_element_type3A_61, %mul3A_81 : vector<8x8xf32>
    %reduce_sum3A_83 = arith.constant dense<0.000000e+00> : vector<8xf32>
    %reduce_sum3A_84 = vector.multi_reduction <add>, %mul3A_82, %reduce_sum3A_83 [0] : vector<8x8xf32> to vector<8xf32>
    %broadcast_in_dim3A_85 = vector.shape_cast %reduce_sum3A_84 : vector<8xf32> to vector<1x8xf32>
    %iota3A_86 = tpu.iota {dimensions = array<i32: 0>} : vector<128x128xi32>
    %iota3A_87 = tpu.iota {dimensions = array<i32: 1>} : vector<128x128xi32>
    %gt3A_88 = arith.cmpi sgt, %iota3A_86, %iota3A_87 : vector<128x128xi32>
    %convert_element_type3A_89 = arith.extui %gt3A_88 : vector<128x128xi1> to vector<128x128xi32>
    %convert_element_type3A_90 = arith.sitofp %convert_element_type3A_89 : vector<128x128xi32> to vector<128x128xf32>
    %broadcast_in_dim3A_91 = arith.constant 0.000000e+00 : f32
    %broadcast_in_dim3A_92 = vector.broadcast %broadcast_in_dim3A_91 : f32 to vector<1x8xf32>
    %slice3A = vector.extract_strided_slice %concatenate3A {offsets = [0, 0], sizes = [128, 8], strides = [1, 1]} : vector<4096x8xf32> to vector<128x8xf32>
    %dot_general3A_93 = arith.constant dense<0.000000e+00> : vector<128x8xf32>
    %dot_general3A_94 = tpu.matmul %convert_element_type3A_90, %slice3A, %dot_general3A_93 {dimension_numbers = #tpu.dot_dimension_numbers<[1], [0], [0], [1], [0, 0, 1, 1], [], []>, transpose_lhs_hint = false} : vector<128x128xf32>, vector<128x8xf32>, vector<128x8xf32> -> vector<128x8xf32>
    %add3A_95 = vector.broadcast %broadcast_in_dim3A_92 : vector<1x8xf32> to vector<128x8xf32>
    %add3A_96 = arith.addf %dot_general3A_94, %add3A_95 : vector<128x8xf32>
    %reduce_sum3A_97 = arith.constant dense<0.000000e+00> : vector<8xf32>
    %reduce_sum3A_98 = vector.multi_reduction <add>, %slice3A, %reduce_sum3A_97 [0] : vector<128x8xf32> to vector<8xf32>
    %broadcast_in_dim3A_99 = vector.shape_cast %reduce_sum3A_98 : vector<8xf32> to vector<1x8xf32>
    %add3A_100 = arith.addf %broadcast_in_dim3A_92, %broadcast_in_dim3A_99 : vector<1x8xf32>
    %slice3A_101 = vector.extract_strided_slice %concatenate3A {offsets = [128, 0], sizes = [128, 8], strides = [1, 1]} : vector<4096x8xf32> to vector<128x8xf32>
    %dot_general3A_102 = arith.constant dense<0.000000e+00> : vector<128x8xf32>
    %dot_general3A_103 = tpu.matmul %convert_element_type3A_90, %slice3A_101, %dot_general3A_102 {dimension_numbers = #tpu.dot_dimension_numbers<[1], [0], [0], [1], [0, 0, 1, 1], [], []>, transpose_lhs_hint = false} : vector<128x128xf32>, vector<128x8xf32>, vector<128x8xf32> -> vector<128x8xf32>
    %add3A_104 = vector.broadcast %add3A_100 : vector<1x8xf32> to vector<128x8xf32>
    %add3A_105 = arith.addf %dot_general3A_103, %add3A_104 : vector<128x8xf32>
    %reduce_sum3A_106 = arith.constant dense<0.000000e+00> : vector<8xf32>
    %reduce_sum3A_107 = vector.multi_reduction <add>, %slice3A_101, %reduce_sum3A_106 [0] : vector<128x8xf32> to vector<8xf32>
    %broadcast_in_dim3A_108 = vector.shape_cast %reduce_sum3A_107 : vector<8xf32> to vector<1x8xf32>
    %add3A_109 = arith.addf %add3A_100, %broadcast_in_dim3A_108 : vector<1x8xf32>
    %slice3A_110 = vector.extract_strided_slice %concatenate3A {offsets = [256, 0], sizes = [128, 8], strides = [1, 1]} : vector<4096x8xf32> to vector<128x8xf32>
    %dot_general3A_111 = arith.constant dense<0.000000e+00> : vector<128x8xf32>
    %dot_general3A_112 = tpu.matmul %convert_element_type3A_90, %slice3A_110, %dot_general3A_111 {dimension_numbers = #tpu.dot_dimension_numbers<[1], [0], [0], [1], [0, 0, 1, 1], [], []>, transpose_lhs_hint = false} : vector<128x128xf32>, vector<128x8xf32>, vector<128x8xf32> -> vector<128x8xf32>
    %add3A_113 = vector.broadcast %add3A_109 : vector<1x8xf32> to vector<128x8xf32>
    %add3A_114 = arith.addf %dot_general3A_112, %add3A_113 : vector<128x8xf32>
    %reduce_sum3A_115 = arith.constant dense<0.000000e+00> : vector<8xf32>
    %reduce_sum3A_116 = vector.multi_reduction <add>, %slice3A_110, %reduce_sum3A_115 [0] : vector<128x8xf32> to vector<8xf32>
    %broadcast_in_dim3A_117 = vector.shape_cast %reduce_sum3A_116 : vector<8xf32> to vector<1x8xf32>
    %add3A_118 = arith.addf %add3A_109, %broadcast_in_dim3A_117 : vector<1x8xf32>
    %slice3A_119 = vector.extract_strided_slice %concatenate3A {offsets = [384, 0], sizes = [128, 8], strides = [1, 1]} : vector<4096x8xf32> to vector<128x8xf32>
    %dot_general3A_120 = arith.constant dense<0.000000e+00> : vector<128x8xf32>
    %dot_general3A_121 = tpu.matmul %convert_element_type3A_90, %slice3A_119, %dot_general3A_120 {dimension_numbers = #tpu.dot_dimension_numbers<[1], [0], [0], [1], [0, 0, 1, 1], [], []>, transpose_lhs_hint = false} : vector<128x128xf32>, vector<128x8xf32>, vector<128x8xf32> -> vector<128x8xf32>
    %add3A_122 = vector.broadcast %add3A_118 : vector<1x8xf32> to vector<128x8xf32>
    %add3A_123 = arith.addf %dot_general3A_121, %add3A_122 : vector<128x8xf32>
    %reduce_sum3A_124 = arith.constant dense<0.000000e+00> : vector<8xf32>
    %reduce_sum3A_125 = vector.multi_reduction <add>, %slice3A_119, %reduce_sum3A_124 [0] : vector<128x8xf32> to vector<8xf32>
    %broadcast_in_dim3A_126 = vector.shape_cast %reduce_sum3A_125 : vector<8xf32> to vector<1x8xf32>
    %add3A_127 = arith.addf %add3A_118, %broadcast_in_dim3A_126 : vector<1x8xf32>
    %slice3A_128 = vector.extract_strided_slice %concatenate3A {offsets = [512, 0], sizes = [128, 8], strides = [1, 1]} : vector<4096x8xf32> to vector<128x8xf32>
    %dot_general3A_129 = arith.constant dense<0.000000e+00> : vector<128x8xf32>
    %dot_general3A_130 = tpu.matmul %convert_element_type3A_90, %slice3A_128, %dot_general3A_129 {dimension_numbers = #tpu.dot_dimension_numbers<[1], [0], [0], [1], [0, 0, 1, 1], [], []>, transpose_lhs_hint = false} : vector<128x128xf32>, vector<128x8xf32>, vector<128x8xf32> -> vector<128x8xf32>
    %add3A_131 = vector.broadcast %add3A_127 : vector<1x8xf32> to vector<128x8xf32>
    %add3A_132 = arith.addf %dot_general3A_130, %add3A_131 : vector<128x8xf32>
    %reduce_sum3A_133 = arith.constant dense<0.000000e+00> : vector<8xf32>
    %reduce_sum3A_134 = vector.multi_reduction <add>, %slice3A_128, %reduce_sum3A_133 [0] : vector<128x8xf32> to vector<8xf32>
    %broadcast_in_dim3A_135 = vector.shape_cast %reduce_sum3A_134 : vector<8xf32> to vector<1x8xf32>
    %add3A_136 = arith.addf %add3A_127, %broadcast_in_dim3A_135 : vector<1x8xf32>
    %slice3A_137 = vector.extract_strided_slice %concatenate3A {offsets = [640, 0], sizes = [128, 8], strides = [1, 1]} : vector<4096x8xf32> to vector<128x8xf32>
    %dot_general3A_138 = arith.constant dense<0.000000e+00> : vector<128x8xf32>
    %dot_general3A_139 = tpu.matmul %convert_element_type3A_90, %slice3A_137, %dot_general3A_138 {dimension_numbers = #tpu.dot_dimension_numbers<[1], [0], [0], [1], [0, 0, 1, 1], [], []>, transpose_lhs_hint = false} : vector<128x128xf32>, vector<128x8xf32>, vector<128x8xf32> -> vector<128x8xf32>
    %add3A_140 = vector.broadcast %add3A_136 : vector<1x8xf32> to vector<128x8xf32>
    %add3A_141 = arith.addf %dot_general3A_139, %add3A_140 : vector<128x8xf32>
    %reduce_sum3A_142 = arith.constant dense<0.000000e+00> : vector<8xf32>
    %reduce_sum3A_143 = vector.multi_reduction <add>, %slice3A_137, %reduce_sum3A_142 [0] : vector<128x8xf32> to vector<8xf32>
    %broadcast_in_dim3A_144 = vector.shape_cast %reduce_sum3A_143 : vector<8xf32> to vector<1x8xf32>
    %add3A_145 = arith.addf %add3A_136, %broadcast_in_dim3A_144 : vector<1x8xf32>
    %slice3A_146 = vector.extract_strided_slice %concatenate3A {offsets = [768, 0], sizes = [128, 8], strides = [1, 1]} : vector<4096x8xf32> to vector<128x8xf32>
    %dot_general3A_147 = arith.constant dense<0.000000e+00> : vector<128x8xf32>
    %dot_general3A_148 = tpu.matmul %convert_element_type3A_90, %slice3A_146, %dot_general3A_147 {dimension_numbers = #tpu.dot_dimension_numbers<[1], [0], [0], [1], [0, 0, 1, 1], [], []>, transpose_lhs_hint = false} : vector<128x128xf32>, vector<128x8xf32>, vector<128x8xf32> -> vector<128x8xf32>
    %add3A_149 = vector.broadcast %add3A_145 : vector<1x8xf32> to vector<128x8xf32>
    %add3A_150 = arith.addf %dot_general3A_148, %add3A_149 : vector<128x8xf32>
    %reduce_sum3A_151 = arith.constant dense<0.000000e+00> : vector<8xf32>
    %reduce_sum3A_152 = vector.multi_reduction <add>, %slice3A_146, %reduce_sum3A_151 [0] : vector<128x8xf32> to vector<8xf32>
    %broadcast_in_dim3A_153 = vector.shape_cast %reduce_sum3A_152 : vector<8xf32> to vector<1x8xf32>
    %add3A_154 = arith.addf %add3A_145, %broadcast_in_dim3A_153 : vector<1x8xf32>
    %slice3A_155 = vector.extract_strided_slice %concatenate3A {offsets = [896, 0], sizes = [128, 8], strides = [1, 1]} : vector<4096x8xf32> to vector<128x8xf32>
    %dot_general3A_156 = arith.constant dense<0.000000e+00> : vector<128x8xf32>
    %dot_general3A_157 = tpu.matmul %convert_element_type3A_90, %slice3A_155, %dot_general3A_156 {dimension_numbers = #tpu.dot_dimension_numbers<[1], [0], [0], [1], [0, 0, 1, 1], [], []>, transpose_lhs_hint = false} : vector<128x128xf32>, vector<128x8xf32>, vector<128x8xf32> -> vector<128x8xf32>
    %add3A_158 = vector.broadcast %add3A_154 : vector<1x8xf32> to vector<128x8xf32>
    %add3A_159 = arith.addf %dot_general3A_157, %add3A_158 : vector<128x8xf32>
    %reduce_sum3A_160 = arith.constant dense<0.000000e+00> : vector<8xf32>
    %reduce_sum3A_161 = vector.multi_reduction <add>, %slice3A_155, %reduce_sum3A_160 [0] : vector<128x8xf32> to vector<8xf32>
    %broadcast_in_dim3A_162 = vector.shape_cast %reduce_sum3A_161 : vector<8xf32> to vector<1x8xf32>
    %add3A_163 = arith.addf %add3A_154, %broadcast_in_dim3A_162 : vector<1x8xf32>
    %slice3A_164 = vector.extract_strided_slice %concatenate3A {offsets = [1024, 0], sizes = [128, 8], strides = [1, 1]} : vector<4096x8xf32> to vector<128x8xf32>
    %dot_general3A_165 = arith.constant dense<0.000000e+00> : vector<128x8xf32>
    %dot_general3A_166 = tpu.matmul %convert_element_type3A_90, %slice3A_164, %dot_general3A_165 {dimension_numbers = #tpu.dot_dimension_numbers<[1], [0], [0], [1], [0, 0, 1, 1], [], []>, transpose_lhs_hint = false} : vector<128x128xf32>, vector<128x8xf32>, vector<128x8xf32> -> vector<128x8xf32>
    %add3A_167 = vector.broadcast %add3A_163 : vector<1x8xf32> to vector<128x8xf32>
    %add3A_168 = arith.addf %dot_general3A_166, %add3A_167 : vector<128x8xf32>
    %reduce_sum3A_169 = arith.constant dense<0.000000e+00> : vector<8xf32>
    %reduce_sum3A_170 = vector.multi_reduction <add>, %slice3A_164, %reduce_sum3A_169 [0] : vector<128x8xf32> to vector<8xf32>
    %broadcast_in_dim3A_171 = vector.shape_cast %reduce_sum3A_170 : vector<8xf32> to vector<1x8xf32>
    %add3A_172 = arith.addf %add3A_163, %broadcast_in_dim3A_171 : vector<1x8xf32>
    %slice3A_173 = vector.extract_strided_slice %concatenate3A {offsets = [1152, 0], sizes = [128, 8], strides = [1, 1]} : vector<4096x8xf32> to vector<128x8xf32>
    %dot_general3A_174 = arith.constant dense<0.000000e+00> : vector<128x8xf32>
    %dot_general3A_175 = tpu.matmul %convert_element_type3A_90, %slice3A_173, %dot_general3A_174 {dimension_numbers = #tpu.dot_dimension_numbers<[1], [0], [0], [1], [0, 0, 1, 1], [], []>, transpose_lhs_hint = false} : vector<128x128xf32>, vector<128x8xf32>, vector<128x8xf32> -> vector<128x8xf32>
    %add3A_176 = vector.broadcast %add3A_172 : vector<1x8xf32> to vector<128x8xf32>
    %add3A_177 = arith.addf %dot_general3A_175, %add3A_176 : vector<128x8xf32>
    %reduce_sum3A_178 = arith.constant dense<0.000000e+00> : vector<8xf32>
    %reduce_sum3A_179 = vector.multi_reduction <add>, %slice3A_173, %reduce_sum3A_178 [0] : vector<128x8xf32> to vector<8xf32>
    %broadcast_in_dim3A_180 = vector.shape_cast %reduce_sum3A_179 : vector<8xf32> to vector<1x8xf32>
    %add3A_181 = arith.addf %add3A_172, %broadcast_in_dim3A_180 : vector<1x8xf32>
    %slice3A_182 = vector.extract_strided_slice %concatenate3A {offsets = [1280, 0], sizes = [128, 8], strides = [1, 1]} : vector<4096x8xf32> to vector<128x8xf32>
    %dot_general3A_183 = arith.constant dense<0.000000e+00> : vector<128x8xf32>
    %dot_general3A_184 = tpu.matmul %convert_element_type3A_90, %slice3A_182, %dot_general3A_183 {dimension_numbers = #tpu.dot_dimension_numbers<[1], [0], [0], [1], [0, 0, 1, 1], [], []>, transpose_lhs_hint = false} : vector<128x128xf32>, vector<128x8xf32>, vector<128x8xf32> -> vector<128x8xf32>
    %add3A_185 = vector.broadcast %add3A_181 : vector<1x8xf32> to vector<128x8xf32>
    %add3A_186 = arith.addf %dot_general3A_184, %add3A_185 : vector<128x8xf32>
    %reduce_sum3A_187 = arith.constant dense<0.000000e+00> : vector<8xf32>
    %reduce_sum3A_188 = vector.multi_reduction <add>, %slice3A_182, %reduce_sum3A_187 [0] : vector<128x8xf32> to vector<8xf32>
    %broadcast_in_dim3A_189 = vector.shape_cast %reduce_sum3A_188 : vector<8xf32> to vector<1x8xf32>
    %add3A_190 = arith.addf %add3A_181, %broadcast_in_dim3A_189 : vector<1x8xf32>
    %slice3A_191 = vector.extract_strided_slice %concatenate3A {offsets = [1408, 0], sizes = [128, 8], strides = [1, 1]} : vector<4096x8xf32> to vector<128x8xf32>
    %dot_general3A_192 = arith.constant dense<0.000000e+00> : vector<128x8xf32>
    %dot_general3A_193 = tpu.matmul %convert_element_type3A_90, %slice3A_191, %dot_general3A_192 {dimension_numbers = #tpu.dot_dimension_numbers<[1], [0], [0], [1], [0, 0, 1, 1], [], []>, transpose_lhs_hint = false} : vector<128x128xf32>, vector<128x8xf32>, vector<128x8xf32> -> vector<128x8xf32>
    %add3A_194 = vector.broadcast %add3A_190 : vector<1x8xf32> to vector<128x8xf32>
    %add3A_195 = arith.addf %dot_general3A_193, %add3A_194 : vector<128x8xf32>
    %reduce_sum3A_196 = arith.constant dense<0.000000e+00> : vector<8xf32>
    %reduce_sum3A_197 = vector.multi_reduction <add>, %slice3A_191, %reduce_sum3A_196 [0] : vector<128x8xf32> to vector<8xf32>
    %broadcast_in_dim3A_198 = vector.shape_cast %reduce_sum3A_197 : vector<8xf32> to vector<1x8xf32>
    %add3A_199 = arith.addf %add3A_190, %broadcast_in_dim3A_198 : vector<1x8xf32>
    %slice3A_200 = vector.extract_strided_slice %concatenate3A {offsets = [1536, 0], sizes = [128, 8], strides = [1, 1]} : vector<4096x8xf32> to vector<128x8xf32>
    %dot_general3A_201 = arith.constant dense<0.000000e+00> : vector<128x8xf32>
    %dot_general3A_202 = tpu.matmul %convert_element_type3A_90, %slice3A_200, %dot_general3A_201 {dimension_numbers = #tpu.dot_dimension_numbers<[1], [0], [0], [1], [0, 0, 1, 1], [], []>, transpose_lhs_hint = false} : vector<128x128xf32>, vector<128x8xf32>, vector<128x8xf32> -> vector<128x8xf32>
    %add3A_203 = vector.broadcast %add3A_199 : vector<1x8xf32> to vector<128x8xf32>
    %add3A_204 = arith.addf %dot_general3A_202, %add3A_203 : vector<128x8xf32>
    %reduce_sum3A_205 = arith.constant dense<0.000000e+00> : vector<8xf32>
    %reduce_sum3A_206 = vector.multi_reduction <add>, %slice3A_200, %reduce_sum3A_205 [0] : vector<128x8xf32> to vector<8xf32>
    %broadcast_in_dim3A_207 = vector.shape_cast %reduce_sum3A_206 : vector<8xf32> to vector<1x8xf32>
    %add3A_208 = arith.addf %add3A_199, %broadcast_in_dim3A_207 : vector<1x8xf32>
    %slice3A_209 = vector.extract_strided_slice %concatenate3A {offsets = [1664, 0], sizes = [128, 8], strides = [1, 1]} : vector<4096x8xf32> to vector<128x8xf32>
    %dot_general3A_210 = arith.constant dense<0.000000e+00> : vector<128x8xf32>
    %dot_general3A_211 = tpu.matmul %convert_element_type3A_90, %slice3A_209, %dot_general3A_210 {dimension_numbers = #tpu.dot_dimension_numbers<[1], [0], [0], [1], [0, 0, 1, 1], [], []>, transpose_lhs_hint = false} : vector<128x128xf32>, vector<128x8xf32>, vector<128x8xf32> -> vector<128x8xf32>
    %add3A_212 = vector.broadcast %add3A_208 : vector<1x8xf32> to vector<128x8xf32>
    %add3A_213 = arith.addf %dot_general3A_211, %add3A_212 : vector<128x8xf32>
    %reduce_sum3A_214 = arith.constant dense<0.000000e+00> : vector<8xf32>
    %reduce_sum3A_215 = vector.multi_reduction <add>, %slice3A_209, %reduce_sum3A_214 [0] : vector<128x8xf32> to vector<8xf32>
    %broadcast_in_dim3A_216 = vector.shape_cast %reduce_sum3A_215 : vector<8xf32> to vector<1x8xf32>
    %add3A_217 = arith.addf %add3A_208, %broadcast_in_dim3A_216 : vector<1x8xf32>
    %slice3A_218 = vector.extract_strided_slice %concatenate3A {offsets = [1792, 0], sizes = [128, 8], strides = [1, 1]} : vector<4096x8xf32> to vector<128x8xf32>
    %dot_general3A_219 = arith.constant dense<0.000000e+00> : vector<128x8xf32>
    %dot_general3A_220 = tpu.matmul %convert_element_type3A_90, %slice3A_218, %dot_general3A_219 {dimension_numbers = #tpu.dot_dimension_numbers<[1], [0], [0], [1], [0, 0, 1, 1], [], []>, transpose_lhs_hint = false} : vector<128x128xf32>, vector<128x8xf32>, vector<128x8xf32> -> vector<128x8xf32>
    %add3A_221 = vector.broadcast %add3A_217 : vector<1x8xf32> to vector<128x8xf32>
    %add3A_222 = arith.addf %dot_general3A_220, %add3A_221 : vector<128x8xf32>
    %reduce_sum3A_223 = arith.constant dense<0.000000e+00> : vector<8xf32>
    %reduce_sum3A_224 = vector.multi_reduction <add>, %slice3A_218, %reduce_sum3A_223 [0] : vector<128x8xf32> to vector<8xf32>
    %broadcast_in_dim3A_225 = vector.shape_cast %reduce_sum3A_224 : vector<8xf32> to vector<1x8xf32>
    %add3A_226 = arith.addf %add3A_217, %broadcast_in_dim3A_225 : vector<1x8xf32>
    %slice3A_227 = vector.extract_strided_slice %concatenate3A {offsets = [1920, 0], sizes = [128, 8], strides = [1, 1]} : vector<4096x8xf32> to vector<128x8xf32>
    %dot_general3A_228 = arith.constant dense<0.000000e+00> : vector<128x8xf32>
    %dot_general3A_229 = tpu.matmul %convert_element_type3A_90, %slice3A_227, %dot_general3A_228 {dimension_numbers = #tpu.dot_dimension_numbers<[1], [0], [0], [1], [0, 0, 1, 1], [], []>, transpose_lhs_hint = false} : vector<128x128xf32>, vector<128x8xf32>, vector<128x8xf32> -> vector<128x8xf32>
    %add3A_230 = vector.broadcast %add3A_226 : vector<1x8xf32> to vector<128x8xf32>
    %add3A_231 = arith.addf %dot_general3A_229, %add3A_230 : vector<128x8xf32>
    %reduce_sum3A_232 = arith.constant dense<0.000000e+00> : vector<8xf32>
    %reduce_sum3A_233 = vector.multi_reduction <add>, %slice3A_227, %reduce_sum3A_232 [0] : vector<128x8xf32> to vector<8xf32>
    %broadcast_in_dim3A_234 = vector.shape_cast %reduce_sum3A_233 : vector<8xf32> to vector<1x8xf32>
    %add3A_235 = arith.addf %add3A_226, %broadcast_in_dim3A_234 : vector<1x8xf32>
    %slice3A_236 = vector.extract_strided_slice %concatenate3A {offsets = [2048, 0], sizes = [128, 8], strides = [1, 1]} : vector<4096x8xf32> to vector<128x8xf32>
    %dot_general3A_237 = arith.constant dense<0.000000e+00> : vector<128x8xf32>
    %dot_general3A_238 = tpu.matmul %convert_element_type3A_90, %slice3A_236, %dot_general3A_237 {dimension_numbers = #tpu.dot_dimension_numbers<[1], [0], [0], [1], [0, 0, 1, 1], [], []>, transpose_lhs_hint = false} : vector<128x128xf32>, vector<128x8xf32>, vector<128x8xf32> -> vector<128x8xf32>
    %add3A_239 = vector.broadcast %add3A_235 : vector<1x8xf32> to vector<128x8xf32>
    %add3A_240 = arith.addf %dot_general3A_238, %add3A_239 : vector<128x8xf32>
    %reduce_sum3A_241 = arith.constant dense<0.000000e+00> : vector<8xf32>
    %reduce_sum3A_242 = vector.multi_reduction <add>, %slice3A_236, %reduce_sum3A_241 [0] : vector<128x8xf32> to vector<8xf32>
    %broadcast_in_dim3A_243 = vector.shape_cast %reduce_sum3A_242 : vector<8xf32> to vector<1x8xf32>
    %add3A_244 = arith.addf %add3A_235, %broadcast_in_dim3A_243 : vector<1x8xf32>
    %slice3A_245 = vector.extract_strided_slice %concatenate3A {offsets = [2176, 0], sizes = [128, 8], strides = [1, 1]} : vector<4096x8xf32> to vector<128x8xf32>
    %dot_general3A_246 = arith.constant dense<0.000000e+00> : vector<128x8xf32>
    %dot_general3A_247 = tpu.matmul %convert_element_type3A_90, %slice3A_245, %dot_general3A_246 {dimension_numbers = #tpu.dot_dimension_numbers<[1], [0], [0], [1], [0, 0, 1, 1], [], []>, transpose_lhs_hint = false} : vector<128x128xf32>, vector<128x8xf32>, vector<128x8xf32> -> vector<128x8xf32>
    %add3A_248 = vector.broadcast %add3A_244 : vector<1x8xf32> to vector<128x8xf32>
    %add3A_249 = arith.addf %dot_general3A_247, %add3A_248 : vector<128x8xf32>
    %reduce_sum3A_250 = arith.constant dense<0.000000e+00> : vector<8xf32>
    %reduce_sum3A_251 = vector.multi_reduction <add>, %slice3A_245, %reduce_sum3A_250 [0] : vector<128x8xf32> to vector<8xf32>
    %broadcast_in_dim3A_252 = vector.shape_cast %reduce_sum3A_251 : vector<8xf32> to vector<1x8xf32>
    %add3A_253 = arith.addf %add3A_244, %broadcast_in_dim3A_252 : vector<1x8xf32>
    %slice3A_254 = vector.extract_strided_slice %concatenate3A {offsets = [2304, 0], sizes = [128, 8], strides = [1, 1]} : vector<4096x8xf32> to vector<128x8xf32>
    %dot_general3A_255 = arith.constant dense<0.000000e+00> : vector<128x8xf32>
    %dot_general3A_256 = tpu.matmul %convert_element_type3A_90, %slice3A_254, %dot_general3A_255 {dimension_numbers = #tpu.dot_dimension_numbers<[1], [0], [0], [1], [0, 0, 1, 1], [], []>, transpose_lhs_hint = false} : vector<128x128xf32>, vector<128x8xf32>, vector<128x8xf32> -> vector<128x8xf32>
    %add3A_257 = vector.broadcast %add3A_253 : vector<1x8xf32> to vector<128x8xf32>
    %add3A_258 = arith.addf %dot_general3A_256, %add3A_257 : vector<128x8xf32>
    %reduce_sum3A_259 = arith.constant dense<0.000000e+00> : vector<8xf32>
    %reduce_sum3A_260 = vector.multi_reduction <add>, %slice3A_254, %reduce_sum3A_259 [0] : vector<128x8xf32> to vector<8xf32>
    %broadcast_in_dim3A_261 = vector.shape_cast %reduce_sum3A_260 : vector<8xf32> to vector<1x8xf32>
    %add3A_262 = arith.addf %add3A_253, %broadcast_in_dim3A_261 : vector<1x8xf32>
    %slice3A_263 = vector.extract_strided_slice %concatenate3A {offsets = [2432, 0], sizes = [128, 8], strides = [1, 1]} : vector<4096x8xf32> to vector<128x8xf32>
    %dot_general3A_264 = arith.constant dense<0.000000e+00> : vector<128x8xf32>
    %dot_general3A_265 = tpu.matmul %convert_element_type3A_90, %slice3A_263, %dot_general3A_264 {dimension_numbers = #tpu.dot_dimension_numbers<[1], [0], [0], [1], [0, 0, 1, 1], [], []>, transpose_lhs_hint = false} : vector<128x128xf32>, vector<128x8xf32>, vector<128x8xf32> -> vector<128x8xf32>
    %add3A_266 = vector.broadcast %add3A_262 : vector<1x8xf32> to vector<128x8xf32>
    %add3A_267 = arith.addf %dot_general3A_265, %add3A_266 : vector<128x8xf32>
    %reduce_sum3A_268 = arith.constant dense<0.000000e+00> : vector<8xf32>
    %reduce_sum3A_269 = vector.multi_reduction <add>, %slice3A_263, %reduce_sum3A_268 [0] : vector<128x8xf32> to vector<8xf32>
    %broadcast_in_dim3A_270 = vector.shape_cast %reduce_sum3A_269 : vector<8xf32> to vector<1x8xf32>
    %add3A_271 = arith.addf %add3A_262, %broadcast_in_dim3A_270 : vector<1x8xf32>
    %slice3A_272 = vector.extract_strided_slice %concatenate3A {offsets = [2560, 0], sizes = [128, 8], strides = [1, 1]} : vector<4096x8xf32> to vector<128x8xf32>
    %dot_general3A_273 = arith.constant dense<0.000000e+00> : vector<128x8xf32>
    %dot_general3A_274 = tpu.matmul %convert_element_type3A_90, %slice3A_272, %dot_general3A_273 {dimension_numbers = #tpu.dot_dimension_numbers<[1], [0], [0], [1], [0, 0, 1, 1], [], []>, transpose_lhs_hint = false} : vector<128x128xf32>, vector<128x8xf32>, vector<128x8xf32> -> vector<128x8xf32>
    %add3A_275 = vector.broadcast %add3A_271 : vector<1x8xf32> to vector<128x8xf32>
    %add3A_276 = arith.addf %dot_general3A_274, %add3A_275 : vector<128x8xf32>
    %reduce_sum3A_277 = arith.constant dense<0.000000e+00> : vector<8xf32>
    %reduce_sum3A_278 = vector.multi_reduction <add>, %slice3A_272, %reduce_sum3A_277 [0] : vector<128x8xf32> to vector<8xf32>
    %broadcast_in_dim3A_279 = vector.shape_cast %reduce_sum3A_278 : vector<8xf32> to vector<1x8xf32>
    %add3A_280 = arith.addf %add3A_271, %broadcast_in_dim3A_279 : vector<1x8xf32>
    %slice3A_281 = vector.extract_strided_slice %concatenate3A {offsets = [2688, 0], sizes = [128, 8], strides = [1, 1]} : vector<4096x8xf32> to vector<128x8xf32>
    %dot_general3A_282 = arith.constant dense<0.000000e+00> : vector<128x8xf32>
    %dot_general3A_283 = tpu.matmul %convert_element_type3A_90, %slice3A_281, %dot_general3A_282 {dimension_numbers = #tpu.dot_dimension_numbers<[1], [0], [0], [1], [0, 0, 1, 1], [], []>, transpose_lhs_hint = false} : vector<128x128xf32>, vector<128x8xf32>, vector<128x8xf32> -> vector<128x8xf32>
    %add3A_284 = vector.broadcast %add3A_280 : vector<1x8xf32> to vector<128x8xf32>
    %add3A_285 = arith.addf %dot_general3A_283, %add3A_284 : vector<128x8xf32>
    %reduce_sum3A_286 = arith.constant dense<0.000000e+00> : vector<8xf32>
    %reduce_sum3A_287 = vector.multi_reduction <add>, %slice3A_281, %reduce_sum3A_286 [0] : vector<128x8xf32> to vector<8xf32>
    %broadcast_in_dim3A_288 = vector.shape_cast %reduce_sum3A_287 : vector<8xf32> to vector<1x8xf32>
    %add3A_289 = arith.addf %add3A_280, %broadcast_in_dim3A_288 : vector<1x8xf32>
    %slice3A_290 = vector.extract_strided_slice %concatenate3A {offsets = [2816, 0], sizes = [128, 8], strides = [1, 1]} : vector<4096x8xf32> to vector<128x8xf32>
    %dot_general3A_291 = arith.constant dense<0.000000e+00> : vector<128x8xf32>
    %dot_general3A_292 = tpu.matmul %convert_element_type3A_90, %slice3A_290, %dot_general3A_291 {dimension_numbers = #tpu.dot_dimension_numbers<[1], [0], [0], [1], [0, 0, 1, 1], [], []>, transpose_lhs_hint = false} : vector<128x128xf32>, vector<128x8xf32>, vector<128x8xf32> -> vector<128x8xf32>
    %add3A_293 = vector.broadcast %add3A_289 : vector<1x8xf32> to vector<128x8xf32>
    %add3A_294 = arith.addf %dot_general3A_292, %add3A_293 : vector<128x8xf32>
    %reduce_sum3A_295 = arith.constant dense<0.000000e+00> : vector<8xf32>
    %reduce_sum3A_296 = vector.multi_reduction <add>, %slice3A_290, %reduce_sum3A_295 [0] : vector<128x8xf32> to vector<8xf32>
    %broadcast_in_dim3A_297 = vector.shape_cast %reduce_sum3A_296 : vector<8xf32> to vector<1x8xf32>
    %add3A_298 = arith.addf %add3A_289, %broadcast_in_dim3A_297 : vector<1x8xf32>
    %slice3A_299 = vector.extract_strided_slice %concatenate3A {offsets = [2944, 0], sizes = [128, 8], strides = [1, 1]} : vector<4096x8xf32> to vector<128x8xf32>
    %dot_general3A_300 = arith.constant dense<0.000000e+00> : vector<128x8xf32>
    %dot_general3A_301 = tpu.matmul %convert_element_type3A_90, %slice3A_299, %dot_general3A_300 {dimension_numbers = #tpu.dot_dimension_numbers<[1], [0], [0], [1], [0, 0, 1, 1], [], []>, transpose_lhs_hint = false} : vector<128x128xf32>, vector<128x8xf32>, vector<128x8xf32> -> vector<128x8xf32>
    %add3A_302 = vector.broadcast %add3A_298 : vector<1x8xf32> to vector<128x8xf32>
    %add3A_303 = arith.addf %dot_general3A_301, %add3A_302 : vector<128x8xf32>
    %reduce_sum3A_304 = arith.constant dense<0.000000e+00> : vector<8xf32>
    %reduce_sum3A_305 = vector.multi_reduction <add>, %slice3A_299, %reduce_sum3A_304 [0] : vector<128x8xf32> to vector<8xf32>
    %broadcast_in_dim3A_306 = vector.shape_cast %reduce_sum3A_305 : vector<8xf32> to vector<1x8xf32>
    %add3A_307 = arith.addf %add3A_298, %broadcast_in_dim3A_306 : vector<1x8xf32>
    %slice3A_308 = vector.extract_strided_slice %concatenate3A {offsets = [3072, 0], sizes = [128, 8], strides = [1, 1]} : vector<4096x8xf32> to vector<128x8xf32>
    %dot_general3A_309 = arith.constant dense<0.000000e+00> : vector<128x8xf32>
    %dot_general3A_310 = tpu.matmul %convert_element_type3A_90, %slice3A_308, %dot_general3A_309 {dimension_numbers = #tpu.dot_dimension_numbers<[1], [0], [0], [1], [0, 0, 1, 1], [], []>, transpose_lhs_hint = false} : vector<128x128xf32>, vector<128x8xf32>, vector<128x8xf32> -> vector<128x8xf32>
    %add3A_311 = vector.broadcast %add3A_307 : vector<1x8xf32> to vector<128x8xf32>
    %add3A_312 = arith.addf %dot_general3A_310, %add3A_311 : vector<128x8xf32>
    %reduce_sum3A_313 = arith.constant dense<0.000000e+00> : vector<8xf32>
    %reduce_sum3A_314 = vector.multi_reduction <add>, %slice3A_308, %reduce_sum3A_313 [0] : vector<128x8xf32> to vector<8xf32>
    %broadcast_in_dim3A_315 = vector.shape_cast %reduce_sum3A_314 : vector<8xf32> to vector<1x8xf32>
    %add3A_316 = arith.addf %add3A_307, %broadcast_in_dim3A_315 : vector<1x8xf32>
    %slice3A_317 = vector.extract_strided_slice %concatenate3A {offsets = [3200, 0], sizes = [128, 8], strides = [1, 1]} : vector<4096x8xf32> to vector<128x8xf32>
    %dot_general3A_318 = arith.constant dense<0.000000e+00> : vector<128x8xf32>
    %dot_general3A_319 = tpu.matmul %convert_element_type3A_90, %slice3A_317, %dot_general3A_318 {dimension_numbers = #tpu.dot_dimension_numbers<[1], [0], [0], [1], [0, 0, 1, 1], [], []>, transpose_lhs_hint = false} : vector<128x128xf32>, vector<128x8xf32>, vector<128x8xf32> -> vector<128x8xf32>
    %add3A_320 = vector.broadcast %add3A_316 : vector<1x8xf32> to vector<128x8xf32>
    %add3A_321 = arith.addf %dot_general3A_319, %add3A_320 : vector<128x8xf32>
    %reduce_sum3A_322 = arith.constant dense<0.000000e+00> : vector<8xf32>
    %reduce_sum3A_323 = vector.multi_reduction <add>, %slice3A_317, %reduce_sum3A_322 [0] : vector<128x8xf32> to vector<8xf32>
    %broadcast_in_dim3A_324 = vector.shape_cast %reduce_sum3A_323 : vector<8xf32> to vector<1x8xf32>
    %add3A_325 = arith.addf %add3A_316, %broadcast_in_dim3A_324 : vector<1x8xf32>
    %slice3A_326 = vector.extract_strided_slice %concatenate3A {offsets = [3328, 0], sizes = [128, 8], strides = [1, 1]} : vector<4096x8xf32> to vector<128x8xf32>
    %dot_general3A_327 = arith.constant dense<0.000000e+00> : vector<128x8xf32>
    %dot_general3A_328 = tpu.matmul %convert_element_type3A_90, %slice3A_326, %dot_general3A_327 {dimension_numbers = #tpu.dot_dimension_numbers<[1], [0], [0], [1], [0, 0, 1, 1], [], []>, transpose_lhs_hint = false} : vector<128x128xf32>, vector<128x8xf32>, vector<128x8xf32> -> vector<128x8xf32>
    %add3A_329 = vector.broadcast %add3A_325 : vector<1x8xf32> to vector<128x8xf32>
    %add3A_330 = arith.addf %dot_general3A_328, %add3A_329 : vector<128x8xf32>
    %reduce_sum3A_331 = arith.constant dense<0.000000e+00> : vector<8xf32>
    %reduce_sum3A_332 = vector.multi_reduction <add>, %slice3A_326, %reduce_sum3A_331 [0] : vector<128x8xf32> to vector<8xf32>
    %broadcast_in_dim3A_333 = vector.shape_cast %reduce_sum3A_332 : vector<8xf32> to vector<1x8xf32>
    %add3A_334 = arith.addf %add3A_325, %broadcast_in_dim3A_333 : vector<1x8xf32>
    %slice3A_335 = vector.extract_strided_slice %concatenate3A {offsets = [3456, 0], sizes = [128, 8], strides = [1, 1]} : vector<4096x8xf32> to vector<128x8xf32>
    %dot_general3A_336 = arith.constant dense<0.000000e+00> : vector<128x8xf32>
    %dot_general3A_337 = tpu.matmul %convert_element_type3A_90, %slice3A_335, %dot_general3A_336 {dimension_numbers = #tpu.dot_dimension_numbers<[1], [0], [0], [1], [0, 0, 1, 1], [], []>, transpose_lhs_hint = false} : vector<128x128xf32>, vector<128x8xf32>, vector<128x8xf32> -> vector<128x8xf32>
    %add3A_338 = vector.broadcast %add3A_334 : vector<1x8xf32> to vector<128x8xf32>
    %add3A_339 = arith.addf %dot_general3A_337, %add3A_338 : vector<128x8xf32>
    %reduce_sum3A_340 = arith.constant dense<0.000000e+00> : vector<8xf32>
    %reduce_sum3A_341 = vector.multi_reduction <add>, %slice3A_335, %reduce_sum3A_340 [0] : vector<128x8xf32> to vector<8xf32>
    %broadcast_in_dim3A_342 = vector.shape_cast %reduce_sum3A_341 : vector<8xf32> to vector<1x8xf32>
    %add3A_343 = arith.addf %add3A_334, %broadcast_in_dim3A_342 : vector<1x8xf32>
    %slice3A_344 = vector.extract_strided_slice %concatenate3A {offsets = [3584, 0], sizes = [128, 8], strides = [1, 1]} : vector<4096x8xf32> to vector<128x8xf32>
    %dot_general3A_345 = arith.constant dense<0.000000e+00> : vector<128x8xf32>
    %dot_general3A_346 = tpu.matmul %convert_element_type3A_90, %slice3A_344, %dot_general3A_345 {dimension_numbers = #tpu.dot_dimension_numbers<[1], [0], [0], [1], [0, 0, 1, 1], [], []>, transpose_lhs_hint = false} : vector<128x128xf32>, vector<128x8xf32>, vector<128x8xf32> -> vector<128x8xf32>
    %add3A_347 = vector.broadcast %add3A_343 : vector<1x8xf32> to vector<128x8xf32>
    %add3A_348 = arith.addf %dot_general3A_346, %add3A_347 : vector<128x8xf32>
    %reduce_sum3A_349 = arith.constant dense<0.000000e+00> : vector<8xf32>
    %reduce_sum3A_350 = vector.multi_reduction <add>, %slice3A_344, %reduce_sum3A_349 [0] : vector<128x8xf32> to vector<8xf32>
    %broadcast_in_dim3A_351 = vector.shape_cast %reduce_sum3A_350 : vector<8xf32> to vector<1x8xf32>
    %add3A_352 = arith.addf %add3A_343, %broadcast_in_dim3A_351 : vector<1x8xf32>
    %slice3A_353 = vector.extract_strided_slice %concatenate3A {offsets = [3712, 0], sizes = [128, 8], strides = [1, 1]} : vector<4096x8xf32> to vector<128x8xf32>
    %dot_general3A_354 = arith.constant dense<0.000000e+00> : vector<128x8xf32>
    %dot_general3A_355 = tpu.matmul %convert_element_type3A_90, %slice3A_353, %dot_general3A_354 {dimension_numbers = #tpu.dot_dimension_numbers<[1], [0], [0], [1], [0, 0, 1, 1], [], []>, transpose_lhs_hint = false} : vector<128x128xf32>, vector<128x8xf32>, vector<128x8xf32> -> vector<128x8xf32>
    %add3A_356 = vector.broadcast %add3A_352 : vector<1x8xf32> to vector<128x8xf32>
    %add3A_357 = arith.addf %dot_general3A_355, %add3A_356 : vector<128x8xf32>
    %reduce_sum3A_358 = arith.constant dense<0.000000e+00> : vector<8xf32>
    %reduce_sum3A_359 = vector.multi_reduction <add>, %slice3A_353, %reduce_sum3A_358 [0] : vector<128x8xf32> to vector<8xf32>
    %broadcast_in_dim3A_360 = vector.shape_cast %reduce_sum3A_359 : vector<8xf32> to vector<1x8xf32>
    %add3A_361 = arith.addf %add3A_352, %broadcast_in_dim3A_360 : vector<1x8xf32>
    %slice3A_362 = vector.extract_strided_slice %concatenate3A {offsets = [3840, 0], sizes = [128, 8], strides = [1, 1]} : vector<4096x8xf32> to vector<128x8xf32>
    %dot_general3A_363 = arith.constant dense<0.000000e+00> : vector<128x8xf32>
    %dot_general3A_364 = tpu.matmul %convert_element_type3A_90, %slice3A_362, %dot_general3A_363 {dimension_numbers = #tpu.dot_dimension_numbers<[1], [0], [0], [1], [0, 0, 1, 1], [], []>, transpose_lhs_hint = false} : vector<128x128xf32>, vector<128x8xf32>, vector<128x8xf32> -> vector<128x8xf32>
    %add3A_365 = vector.broadcast %add3A_361 : vector<1x8xf32> to vector<128x8xf32>
    %add3A_366 = arith.addf %dot_general3A_364, %add3A_365 : vector<128x8xf32>
    %reduce_sum3A_367 = arith.constant dense<0.000000e+00> : vector<8xf32>
    %reduce_sum3A_368 = vector.multi_reduction <add>, %slice3A_362, %reduce_sum3A_367 [0] : vector<128x8xf32> to vector<8xf32>
    %broadcast_in_dim3A_369 = vector.shape_cast %reduce_sum3A_368 : vector<8xf32> to vector<1x8xf32>
    %add3A_370 = arith.addf %add3A_361, %broadcast_in_dim3A_369 : vector<1x8xf32>
    %slice3A_371 = vector.extract_strided_slice %concatenate3A {offsets = [3968, 0], sizes = [128, 8], strides = [1, 1]} : vector<4096x8xf32> to vector<128x8xf32>
    %dot_general3A_372 = arith.constant dense<0.000000e+00> : vector<128x8xf32>
    %dot_general3A_373 = tpu.matmul %convert_element_type3A_90, %slice3A_371, %dot_general3A_372 {dimension_numbers = #tpu.dot_dimension_numbers<[1], [0], [0], [1], [0, 0, 1, 1], [], []>, transpose_lhs_hint = false} : vector<128x128xf32>, vector<128x8xf32>, vector<128x8xf32> -> vector<128x8xf32>
    %add3A_374 = vector.broadcast %add3A_370 : vector<1x8xf32> to vector<128x8xf32>
    %add3A_375 = arith.addf %dot_general3A_373, %add3A_374 : vector<128x8xf32>
    %concatenate3A_376 = tpu.concatenate %add3A_96, %add3A_105, %add3A_114, %add3A_123, %add3A_132, %add3A_141, %add3A_150, %add3A_159, %add3A_168, %add3A_177, %add3A_186, %add3A_195, %add3A_204, %add3A_213, %add3A_222, %add3A_231, %add3A_240, %add3A_249, %add3A_258, %add3A_267, %add3A_276, %add3A_285, %add3A_294, %add3A_303, %add3A_312, %add3A_321, %add3A_330, %add3A_339, %add3A_348, %add3A_357, %add3A_366, %add3A_375 in 0 : vector<128x8xf32>, vector<128x8xf32>, vector<128x8xf32>, vector<128x8xf32>, vector<128x8xf32>, vector<128x8xf32>, vector<128x8xf32>, vector<128x8xf32>, vector<128x8xf32>, vector<128x8xf32>, vector<128x8xf32>, vector<128x8xf32>, vector<128x8xf32>, vector<128x8xf32>, vector<128x8xf32>, vector<128x8xf32>, vector<128x8xf32>, vector<128x8xf32>, vector<128x8xf32>, vector<128x8xf32>, vector<128x8xf32>, vector<128x8xf32>, vector<128x8xf32>, vector<128x8xf32>, vector<128x8xf32>, vector<128x8xf32>, vector<128x8xf32>, vector<128x8xf32>, vector<128x8xf32>, vector<128x8xf32>, vector<128x8xf32>, vector<128x8xf32> -> vector<4096x8xf32>
    %add3A_377 = vector.broadcast %broadcast_in_dim3A_85 : vector<1x8xf32> to vector<4096x8xf32>
    %add3A_378 = arith.addf %concatenate3A_376, %add3A_377 : vector<4096x8xf32>
    %mul3A_379 = arith.mulf %concatenate3A, %add3A_378 : vector<4096x8xf32>
    %reduce_sum3A_380 = arith.constant dense<0.000000e+00> : vector<4096xf32>
    %reduce_sum3A_381 = vector.multi_reduction <add>, %mul3A_379, %reduce_sum3A_380 [1] : vector<4096x8xf32> to vector<4096xf32>
    %broadcast_in_dim3A_382 = vector.shape_cast %reduce_sum3A_381 : vector<4096xf32> to vector<4096x1xf32>
    %convert_element_type3A_383 = arith.fptosi %broadcast_in_dim3A_382 : vector<4096x1xf32> to vector<4096x1xi32>
    %slice3A_384 = vector.extract_strided_slice %convert_element_type3A_383 {offsets = [0, 0], sizes = [2048, 1], strides = [1, 1]} : vector<4096x1xi32> to vector<2048x1xi32>
    %slice3A_385 = vector.extract_strided_slice %convert_element_type3A_383 {offsets = [2048, 0], sizes = [2048, 1], strides = [1, 1]} : vector<4096x1xi32> to vector<2048x1xi32>
    %concatenate3A_386 = tpu.concatenate %slice3A_384, %slice3A_385 in 1 : vector<2048x1xi32>, vector<2048x1xi32> -> vector<2048x2xi32>
    %swap3A = arith.constant 0 : index
    %swap3A_387 = arith.constant 0 : index
    %swap3A_388 = vector.load %arg3[%swap3A, %swap3A_387] : memref<2048x2xi32, #tpu.memory_space<vmem>>, vector<2048x2xi32>
    tpu.vector_store %arg3[%swap3A, %swap3A_387], %concatenate3A_386 {strides = array<i32>} : memref<2048x2xi32, #tpu.memory_space<vmem>>, vector<2048x2xi32>,
    %concatenate3A_389 = tpu.concatenate %div3A_39, %div3A_40 in 1 : vector<2048x1xf32>, vector<2048x1xf32> -> vector<2048x2xf32>
    %swap3A_390 = arith.constant 0 : index
    %swap3A_391 = arith.constant 0 : index
    %swap3A_392 = vector.load %arg4[%swap3A_390, %swap3A_391] : memref<2048x2xf32, #tpu.memory_space<vmem>>, vector<2048x2xf32>
    tpu.vector_store %arg4[%swap3A_390, %swap3A_391], %concatenate3A_389 {strides = array<i32>} : memref<2048x2xf32, #tpu.memory_space<vmem>>, vector<2048x2xf32>,
    %reduce_sum3A_393 = vector.shape_cast %broadcast_in_dim3A_65 : vector<8x1xf32> to vector<1x8x1xf32>
    %reduce_sum3A_394 = arith.constant dense<0.000000e+00> : vector<1xf32>
    %reduce_sum3A_395 = vector.multi_reduction <add>, %reduce_sum3A_393, %reduce_sum3A_394 [1, 2] : vector<1x8x1xf32> to vector<1xf32>
    %reduce_sum3A_396 = vector.shape_cast %reduce_sum3A_395 : vector<1xf32> to vector<1x1x1xf32>
    %reduce_sum3A_397 = vector.extract %reduce_sum3A_396[0, 0, 0] : f32 from vector<1x1x1xf32>
    %iota3A_398 = tpu.iota {dimensions = array<i32: 1>} : vector<1x16xi32>
    %convert_element_type3A_399 = arith.sitofp %iota3A_398 : vector<1x16xi32> to vector<1x16xf32>
    %le3A = vector.broadcast %dot_general3A_80 : vector<8x1xf32> to vector<8x16xf32>
    %le3A_400 = vector.broadcast %convert_element_type3A_399 : vector<1x16xf32> to vector<8x16xf32>
    %le3A_401 = arith.cmpf ole, %le3A, %le3A_400 : vector<8x16xf32>
    %convert_element_type3A_402 = arith.extui %le3A_401 : vector<8x16xi1> to vector<8x16xi32>
    %convert_element_type3A_403 = arith.sitofp %convert_element_type3A_402 : vector<8x16xi32> to vector<8x16xf32>
    %reduce_sum3A_404 = arith.constant dense<0.000000e+00> : vector<16xf32>
    %reduce_sum3A_405 = vector.multi_reduction <add>, %convert_element_type3A_403, %reduce_sum3A_404 [0] : vector<8x16xf32> to vector<16xf32>
    %broadcast_in_dim3A_406 = vector.shape_cast %reduce_sum3A_405 : vector<16xf32> to vector<1x16xf32>
    %sub3A_407 = arith.constant 1.000000e+00 : f32
    %sub3A_408 = arith.subf %reduce_sum3A_397, %sub3A_407 : f32
    %le3A_409 = vector.broadcast %sub3A_408 : f32 to vector<8x1xf32>
    %le3A_410 = arith.cmpf ole, %dot_general3A_80, %le3A_409 : vector<8x1xf32>
    %convert_element_type3A_411 = arith.extui %le3A_410 : vector<8x1xi1> to vector<8x1xi32>
    %convert_element_type3A_412 = arith.sitofp %convert_element_type3A_411 : vector<8x1xi32> to vector<8x1xf32>
    %reduce_sum3A_413 = arith.constant dense<0.000000e+00> : vector<1xf32>
    %reduce_sum3A_414 = vector.multi_reduction <add>, %convert_element_type3A_412, %reduce_sum3A_413 [0] : vector<8x1xf32> to vector<1xf32>
    %broadcast_in_dim3A_415 = vector.shape_cast %reduce_sum3A_414 : vector<1xf32> to vector<1x1xf32>
    %lt3A = vector.broadcast %reduce_sum3A_397 : f32 to vector<1x16xf32>
    %lt3A_416 = arith.cmpf olt, %convert_element_type3A_399, %lt3A : vector<1x16xf32>
    %broadcast_in_dim3A_417 = vector.shape_cast %broadcast_in_dim3A_415 : vector<1x1xf32> to vector<1x1xf32>
    %broadcast_in_dim3A_418 = vector.broadcast %broadcast_in_dim3A_417 : vector<1x1xf32> to vector<1x16xf32>
    %select_n3A_419 = arith.select %lt3A_416, %broadcast_in_dim3A_406, %broadcast_in_dim3A_418 : vector<1x16xi1>, vector<1x16xf32>
    %iota3A_420 = tpu.iota {dimensions = array<i32: 1>} : vector<1x16xi32>
    %eq3A_421 = arith.constant 15 : i32
    %eq3A_422 = vector.broadcast %eq3A_421 : i32 to vector<1x16xi32>
    %eq3A_423 = arith.cmpi eq, %iota3A_420, %eq3A_422 : vector<1x16xi32>
    %convert_element_type3A_424 = arith.fptosi %reduce_sum3A_397 : f32 to i32
    %convert_element_type3A_425 = arith.fptosi %select_n3A_419 : vector<1x16xf32> to vector<1x16xi32>
    %broadcast_in_dim3A_426 = vector.broadcast %convert_element_type3A_424 : i32 to vector<1x16xi32>
    %select_n3A_427 = arith.select %eq3A_423, %broadcast_in_dim3A_426, %convert_element_type3A_425 : vector<1x16xi1>, vector<1x16xi32>
    %swap3A_428 = arith.constant 0 : index
    %swap3A_429 = arith.constant 0 : index
    %swap3A_430 = vector.load %arg5[%swap3A_428, %swap3A_429] : memref<1x16xi32, #tpu.memory_space<vmem>>, vector<1x16xi32>
    tpu.vector_store %arg5[%swap3A_428, %swap3A_429], %select_n3A_427 {strides = array<i32>} : memref<1x16xi32, #tpu.memory_space<vmem>>, vector<1x16xi32>,
    return
  }
  func.func @transform_0(%arg0: i32) -> (i32, i32) {
    %c0_i32 = arith.constant 0 : i32
    %c0_i32_0 = arith.constant 0 : i32
    %c0_i32_1 = arith.constant 0 : i32
    return %c0_i32, %c0_i32_0 : i32, i32
  }
  func.func @transform_1(%arg0: i32) -> (i32, i32) {
    %c0_i32 = arith.constant 0 : i32
    %c0_i32_0 = arith.constant 0 : i32
    %c0_i32_1 = arith.constant 0 : i32
    return %c0_i32, %c0_i32_0 : i32, i32
  }
  func.func @transform_2(%arg0: i32) -> (i32, i32) {
    %c0_i32 = arith.constant 0 : i32
    %c0_i32_0 = arith.constant 0 : i32
    %c0_i32_1 = arith.constant 0 : i32
    return %c0_i32, %c0_i32_0 : i32, i32
  }
  func.func @transform_3(%arg0: i32) -> (i32, i32) {
    %c0_i32 = arith.constant 0 : i32
    %c0_i32_0 = arith.constant 0 : i32
    %c0_i32_1 = arith.constant 0 : i32
    return %c0_i32, %c0_i32_0 : i32, i32
  }
  func.func @transform_4(%arg0: i32) -> (i32, i32) {
    %c0_i32 = arith.constant 0 : i32
    %c0_i32_0 = arith.constant 0 : i32
    %c0_i32_1 = arith.constant 0 : i32
    return %c0_i32, %c0_i32_0 : i32, i32
  }
}

module attributes {stable_mosaic.version = 14 : i64} {
  func.func @_ffn_shared_body(%arg0: i32, %arg1: i32, %arg2: memref<512x1024xf32, #tpu.memory_space<vmem>>, %arg3: memref<688x1024xf32, #tpu.memory_space<vmem>>, %arg4: memref<688x1024xf32, #tpu.memory_space<vmem>>, %arg5: memref<688x1024xf32, #tpu.memory_space<vmem>>, %arg6: memref<512x1024xf32, #tpu.memory_space<vmem>>) attributes {dimension_semantics = [#tpu.dimension_semantics<arbitrary>, #tpu.dimension_semantics<arbitrary>], iteration_bounds = array<i64: 4, 4>, scalar_prefetch = 0 : i64, scratch_operands = 0 : i64, tpu.core_type = #tpu.core_type<tc>, window_params = [{transform_indices = @transform_0, window_bounds = array<i64: 512, 1024>}, {transform_indices = @transform_1, window_bounds = array<i64: 688, 1024>}, {transform_indices = @transform_2, window_bounds = array<i64: 688, 1024>}, {transform_indices = @transform_3, window_bounds = array<i64: 688, 1024>}, {transform_indices = @transform_4, window_bounds = array<i64: 512, 1024>}]} {
    %get3A = arith.constant 0 : index
    %get3A_0 = arith.constant 0 : index
    %get3A_1 = vector.load %arg2[%get3A, %get3A_0] : memref<512x1024xf32, #tpu.memory_space<vmem>>, vector<512x1024xf32>
    %get3A_2 = arith.constant 0 : index
    %get3A_3 = arith.constant 0 : index
    %get3A_4 = vector.load %arg3[%get3A_2, %get3A_3] : memref<688x1024xf32, #tpu.memory_space<vmem>>, vector<688x1024xf32>
    %dot_general3A = arith.constant dense<0.000000e+00> : vector<512x688xf32>
    %dot_general3A_5 = tpu.matmul %get3A_1, %get3A_4, %dot_general3A {dimension_numbers = #tpu.dot_dimension_numbers<[1], [1], [0], [0], [0, 0, 1, 0], [], []>, transpose_lhs_hint = false} : vector<512x1024xf32>, vector<688x1024xf32>, vector<512x688xf32> -> vector<512x688xf32>
    %get3A_6 = arith.constant 0 : index
    %get3A_7 = arith.constant 0 : index
    %get3A_8 = vector.load %arg4[%get3A_6, %get3A_7] : memref<688x1024xf32, #tpu.memory_space<vmem>>, vector<688x1024xf32>
    %dot_general3A_9 = arith.constant dense<0.000000e+00> : vector<512x688xf32>
    %dot_general3A_10 = tpu.matmul %get3A_1, %get3A_8, %dot_general3A_9 {dimension_numbers = #tpu.dot_dimension_numbers<[1], [1], [0], [0], [0, 0, 1, 0], [], []>, transpose_lhs_hint = false} : vector<512x1024xf32>, vector<688x1024xf32>, vector<512x688xf32> -> vector<512x688xf32>
    %logistic3A = arith.negf %dot_general3A_5 : vector<512x688xf32>
    %logistic3A_11 = math.exp %logistic3A : vector<512x688xf32>
    %logistic3A_12 = arith.constant 1.000000e+00 : f32
    %logistic3A_13 = vector.broadcast %logistic3A_12 : f32 to vector<512x688xf32>
    %logistic3A_14 = arith.addf %logistic3A_13, %logistic3A_11 : vector<512x688xf32>
    %logistic3A_15 = arith.divf %logistic3A_13, %logistic3A_14 : vector<512x688xf32>
    %mul3A = arith.mulf %dot_general3A_5, %logistic3A_15 : vector<512x688xf32>
    %mul3A_16 = arith.mulf %mul3A, %dot_general3A_10 : vector<512x688xf32>
    %get3A_17 = arith.constant 0 : index
    %get3A_18 = arith.constant 0 : index
    %get3A_19 = vector.load %arg5[%get3A_17, %get3A_18] : memref<688x1024xf32, #tpu.memory_space<vmem>>, vector<688x1024xf32>
    %dot_general3A_20 = arith.constant dense<0.000000e+00> : vector<512x1024xf32>
    %dot_general3A_21 = tpu.matmul %mul3A_16, %get3A_19, %dot_general3A_20 {dimension_numbers = #tpu.dot_dimension_numbers<[1], [0], [0], [1], [0, 0, 1, 1], [], []>, transpose_lhs_hint = false} : vector<512x688xf32>, vector<688x1024xf32>, vector<512x1024xf32> -> vector<512x1024xf32>
    %eq3A = arith.constant 0 : i32
    %eq3A_22 = arith.cmpi eq, %arg1, %eq3A : i32
    %convert_element_type3A = arith.extui %eq3A_22 : i1 to i32
    %cond3A = arith.constant 0 : i32
    %cond3A_23 = arith.cmpi ne, %convert_element_type3A, %cond3A : i32
    scf.if %cond3A_23 {
      %swap3A = arith.constant 0 : index
      %swap3A_28 = arith.constant 0 : index
      %swap3A_29 = vector.load %arg6[%swap3A, %swap3A_28] : memref<512x1024xf32, #tpu.memory_space<vmem>>, vector<512x1024xf32>
      tpu.vector_store %arg6[%swap3A, %swap3A_28], %dot_general3A_21 {strides = array<i32>} : memref<512x1024xf32, #tpu.memory_space<vmem>>, vector<512x1024xf32>,
    } else {
    }
    %gt3A = arith.constant 0 : i32
    %gt3A_24 = arith.cmpi sgt, %arg1, %gt3A : i32
    %convert_element_type3A_25 = arith.extui %gt3A_24 : i1 to i32
    %cond3A_26 = arith.constant 0 : i32
    %cond3A_27 = arith.cmpi ne, %convert_element_type3A_25, %cond3A_26 : i32
    scf.if %cond3A_27 {
      %get3A_28 = arith.constant 0 : index
      %get3A_29 = arith.constant 0 : index
      %get3A_30 = vector.load %arg6[%get3A_28, %get3A_29] : memref<512x1024xf32, #tpu.memory_space<vmem>>, vector<512x1024xf32>
      %add3A = arith.addf %get3A_30, %dot_general3A_21 : vector<512x1024xf32>
      %swap3A = arith.constant 0 : index
      %swap3A_31 = arith.constant 0 : index
      %swap3A_32 = vector.load %arg6[%swap3A, %swap3A_31] : memref<512x1024xf32, #tpu.memory_space<vmem>>, vector<512x1024xf32>
      tpu.vector_store %arg6[%swap3A, %swap3A_31], %add3A {strides = array<i32>} : memref<512x1024xf32, #tpu.memory_space<vmem>>, vector<512x1024xf32>,
    } else {
    }
    return
  }
  func.func @transform_0(%arg0: i32, %arg1: i32) -> (i32, i32) {
    %c0_i32 = arith.constant 0 : i32
    %c0_i32_0 = arith.constant 0 : i32
    return %arg0, %c0_i32 : i32, i32
  }
  func.func @transform_1(%arg0: i32, %arg1: i32) -> (i32, i32) {
    %c0_i32 = arith.constant 0 : i32
    %c0_i32_0 = arith.constant 0 : i32
    return %arg1, %c0_i32 : i32, i32
  }
  func.func @transform_2(%arg0: i32, %arg1: i32) -> (i32, i32) {
    %c0_i32 = arith.constant 0 : i32
    %c0_i32_0 = arith.constant 0 : i32
    return %arg1, %c0_i32 : i32, i32
  }
  func.func @transform_3(%arg0: i32, %arg1: i32) -> (i32, i32) {
    %c0_i32 = arith.constant 0 : i32
    %c0_i32_0 = arith.constant 0 : i32
    return %arg1, %c0_i32 : i32, i32
  }
  func.func @transform_4(%arg0: i32, %arg1: i32) -> (i32, i32) {
    %c0_i32 = arith.constant 0 : i32
    %c0_i32_0 = arith.constant 0 : i32
    return %arg0, %c0_i32 : i32, i32
  }
}

module attributes {stable_mosaic.version = 14 : i64} {
  func.func @_combine_body(%arg0: i32, %arg1: memref<2x512x1024xf32, #tpu.memory_space<vmem>>, %arg2: memref<512x1024xf32, #tpu.memory_space<vmem>>, %arg3: memref<512x2xf32, #tpu.memory_space<vmem>>, %arg4: memref<512x1024xf32, #tpu.memory_space<vmem>>) attributes {dimension_semantics = [#tpu.dimension_semantics<arbitrary>], iteration_bounds = array<i64: 4>, scalar_prefetch = 0 : i64, scratch_operands = 0 : i64, tpu.core_type = #tpu.core_type<tc>, window_params = [{transform_indices = @transform_0, window_bounds = array<i64: 2, 512, 1024>}, {transform_indices = @transform_1, window_bounds = array<i64: 512, 1024>}, {transform_indices = @transform_2, window_bounds = array<i64: 512, 2>}, {transform_indices = @transform_3, window_bounds = array<i64: 512, 1024>}]} {
    %get3A = arith.constant 0 : index
    %get3A_0 = arith.constant 0 : index
    %get3A_1 = arith.constant 0 : index
    %get3A_2 = vector.load %arg1[%get3A, %get3A_0, %get3A_1] : memref<2x512x1024xf32, #tpu.memory_space<vmem>>, vector<1x512x1024xf32>
    %get3A_3 = vector.shape_cast %get3A_2 : vector<1x512x1024xf32> to vector<512x1024xf32>
    %get3A_4 = arith.constant 1 : index
    %get3A_5 = arith.constant 0 : index
    %get3A_6 = arith.constant 0 : index
    %get3A_7 = vector.load %arg1[%get3A_4, %get3A_5, %get3A_6] : memref<2x512x1024xf32, #tpu.memory_space<vmem>>, vector<1x512x1024xf32>
    %get3A_8 = vector.shape_cast %get3A_7 : vector<1x512x1024xf32> to vector<512x1024xf32>
    %get3A_9 = arith.constant 0 : index
    %get3A_10 = arith.constant 0 : index
    %get3A_11 = vector.load %arg3[%get3A_9, %get3A_10] : memref<512x2xf32, #tpu.memory_space<vmem>>, vector<512x1xf32>
    %get3A_12 = arith.constant 0 : index
    %get3A_13 = arith.constant 1 : index
    %get3A_14 = vector.load %arg3[%get3A_12, %get3A_13] : memref<512x2xf32, #tpu.memory_space<vmem>>, vector<512x1xf32>
    %mul3A = vector.broadcast %get3A_11 : vector<512x1xf32> to vector<512x1024xf32>
    %mul3A_15 = arith.mulf %mul3A, %get3A_3 : vector<512x1024xf32>
    %mul3A_16 = vector.broadcast %get3A_14 : vector<512x1xf32> to vector<512x1024xf32>
    %mul3A_17 = arith.mulf %mul3A_16, %get3A_8 : vector<512x1024xf32>
    %add3A = arith.addf %mul3A_15, %mul3A_17 : vector<512x1024xf32>
    %get3A_18 = arith.constant 0 : index
    %get3A_19 = arith.constant 0 : index
    %get3A_20 = vector.load %arg2[%get3A_18, %get3A_19] : memref<512x1024xf32, #tpu.memory_space<vmem>>, vector<512x1024xf32>
    %add3A_21 = arith.addf %add3A, %get3A_20 : vector<512x1024xf32>
    %swap3A = arith.constant 0 : index
    %swap3A_22 = arith.constant 0 : index
    %swap3A_23 = vector.load %arg4[%swap3A, %swap3A_22] : memref<512x1024xf32, #tpu.memory_space<vmem>>, vector<512x1024xf32>
    tpu.vector_store %arg4[%swap3A, %swap3A_22], %add3A_21 {strides = array<i32>} : memref<512x1024xf32, #tpu.memory_space<vmem>>, vector<512x1024xf32>,
    return
  }
  func.func @transform_0(%arg0: i32) -> (i32, i32, i32) {
    %c0_i32 = arith.constant 0 : i32
    %c0_i32_0 = arith.constant 0 : i32
    %c0_i32_1 = arith.constant 0 : i32
    return %c0_i32, %arg0, %c0_i32_0 : i32, i32, i32
  }
  func.func @transform_1(%arg0: i32) -> (i32, i32) {
    %c0_i32 = arith.constant 0 : i32
    %c0_i32_0 = arith.constant 0 : i32
    return %arg0, %c0_i32 : i32, i32
  }
  func.func @transform_2(%arg0: i32) -> (i32, i32) {
    %c0_i32 = arith.constant 0 : i32
    %c0_i32_0 = arith.constant 0 : i32
    return %arg0, %c0_i32 : i32, i32
  }
  func.func @transform_3(%arg0: i32) -> (i32, i32) {
    %c0_i32 = arith.constant 0 : i32
    %c0_i32_0 = arith.constant 0 : i32
    return %arg0, %c0_i32 : i32, i32
  }
}

</mosaic_0001>

<sc_bundles>
// kernel: kernel.11.cloned.1.call-start
scs
__scs_entry_jumppad:
0x0: {  	(pc) =	sbr.rel $0x88, $3  }
0x1: {  	(tag) =	ssettag $0x0;
	lr =	simm.s32 $0x1  }
0x2: {  	[smem:$0x3F99] =	sst lr;
	_ =	strace $0xD0000000  }
0x3: {  	_ = 	snop  }
0x4: {  	_ = 	snop  }
0x5: {  	_ = 	snop  }
0x6: {  	_ = 	snop  }
0x7: {  	_ = 	snop  }
__scs_overlays_trampoline_lowered:
0x8: {  	[smem:$0x3FA8] =	sst s0  }
0x9: {  	[smem:$0x3FA9] =	sst s1  }
0xa: {  	[smem:$0x3FAA] =	sst s2  }
0xb: {  	[smem:$0x3FAB] =	sst s3  }
0xc: {  	[smem:$0x3FAC] =	sst s4  }
0xd: {  	[smem:$0x3FAD] =	sst s5  }
0xe: {  	[smem:$0x3FAE] =	sst s6  }
0xf: {  	[smem:$0x3FAF] =	sst s7  }
0x10: {  	[smem:$0x3FB0] =	sst s8  }
0x11: {  	[smem:$0x3FB1] =	sst s9;
	s0 =	simm.s32 @!p0 $0x0  }
0x12: {  	s1 =	sld [smem:$0x3F97];
	s0 =	simm.s32 @p0 $0x1  }
0x13: {  	[smem:$0x3FB2] =	sst s0;
	s0 =	simm.s32 @!p1 $0x0  }
0x14: {  	s2 =	sld [smem:$0x3F96];
	s0 =	simm.s32 @p1 $0x1  }
0x15: {  	[smem:$0x3FB3] =	sst s0;
	s0 =	simm.s32 @!p2 $0x0  }
0x16: {  	s3 =	sld [smem:$0x3FDB];
	s0 =	simm.s32 @p2 $0x1  }
0x17: {  	s4 =	simm.s32 $0x1BF5;
	[smem:$0x3FB5] =	sst s0  }
0x18: {  	s0 =	sld [smem:$0x3F98];
	_ =	swait.ge [sflag:s4], $0x0  }
0x19: {  	s7 =	sld [smem:$0x3F99]  }
0x1a: {  	s8 =	sadd.s32 $0xFFFFE003, lr  }
0x1b: {  	s9 =	sadd.s32 $0xFFFFFEF7, lr;
	s5 =	simm.s32 $0xFFFFFFFF;
	p2 =	slt.u32 s8, $0xFFFFF086  }
0x1c: {  	p1 =	slt.u32 s9, $0xF7A;
	s5 =	simm.s32 @!p2 $0x0  }
0x1d: {  	s5 =	simm.s32 @p1 $0x1;
	p0 =	seq.s32 s7, s2  }
0x1e: {  	s7 =	smul.u32 @!p0 $0xF7A, s2;
	p2 =	seq.s32 @!p0 s5, $0x0  }
0x1f: {  	s9 =	smul.u32 $0xF7A, s1;
	s8 =	simm.s32 @!p0 $0x1BF5;
	p2 =	por !p2, p0  }
0x20: {  	[sflag:s8] =	ssyncset.s32 @!p0 $0xFFFFF086;
	s6 =	sadd.s32 @!p0 s3, s7;
	s7 =	simm.s32 @!p0 $0x108  }
0x21: {  	s3 =	sadd.s32 s3, s9;
	s6 =	sadd.s32 @!p0 $0x88, s6;
	s7 =	simm.s32 @p2 $0x1082  }
0x22: {  	[simem:s7], [sflag:s8] =	dma.local @!p0 [hbm:s6], $0xF7A  }
0x23: {  	s9 =	sor.u32 $0xD0000000, s2;
	s6 =	simm.s32 $0x108;
	_ =	swait.ge @!p0 [sflag:s8], $0x0  }
0x24: {  	s3 =	sadd.s32 $0x88, s3;
	s6 =	simm.s32 @!p1 $0x1082;
	[sflag:s4] =	ssyncset.s32 $0xFFFFF086  }
0x25: {  	[simem:s6], [sflag:s4] =	dma.local [hbm:s3], $0xF7A  }
0x26: {  	[smem:$0x3F99] =	sst s1;
	(tag) =	ssettag s2;
	_ =	strace s9  }
0x27: {  	s1 =	sld [smem:$0x3FA9]  }
0x28: {  	s2 =	sld [smem:$0x3FAA]  }
0x29: {  	s4 =	sld [smem:$0x3FAC]  }
0x2a: {  	p0 =	seq.s32 s5, $0x0;
	s5 =	sld [smem:$0x3FAD]  }
0x2b: {  	s6 =	sld [smem:$0x3FAE]  }
0x2c: {  	s7 =	sld [smem:$0x3FAF]  }
0x2d: {  	s3 =	simm.s32 $0x108;
	s8 =	sld [smem:$0x3FB0]  }
0x2e: {  	s3 =	simm.s32 @!p0 $0x1082;
	s9 =	sld [smem:$0x3FB1]  }
0x2f: {  	lr =	sadd.s32 s0, s3;
	s0 =	sld [smem:$0x3FA8]  }
0x30: {  	s3 =	sld [smem:$0x3FAB]  }
0x31: {  	[smem:$0x3FB4] =	sst s10  }
0x32: {  	s10 =	sld [smem:$0x3FB2];
	_ =	sdelay $0x3  }
0x33: {  	p0 =	seq.s32 s10, $0x1;
	s10 =	sld [smem:$0x3FB4];
	_ =	sdelay $0x3  }
0x34: {  	[smem:$0x3FB4] =	sst s10  }
0x35: {  	s10 =	sld [smem:$0x3FB3];
	_ =	sdelay $0x3  }
0x36: {  	p1 =	seq.s32 s10, $0x1;
	s10 =	sld [smem:$0x3FB4];
	_ =	sdelay $0x3  }
0x37: {  	[smem:$0x3FB4] =	sst s10  }
0x38: {  	s10 =	sld [smem:$0x3FB5]  }
0x39: {  	_ = 	snop;
	(pc) =	sbr.ind lr, $3  }
0x3a: {  	_ = 	snop  }
0x3b: {  	_ = 	snop  }
0x3c: {  	p2 =	seq.s32 s10, $0x1;
	s10 =	sld [smem:$0x3FB4]  }
0x3d: {  	_ =	shalt  }
0x3e: {  	_ =	shalt  }
0x3f: {  	_ =	shalt  }
0x40: {  	_ =	shalt  }
0x41: {  	_ =	shalt  }
0x42: {  	_ =	shalt  }
0x43: {  	_ =	shalt  }
0x44: {  	_ =	shalt  }
0x45: {  	_ =	shalt  }
0x46: {  	_ =	shalt  }
0x47: {  	_ =	shalt  }
0x48: {  	_ =	shalt  }
0x49: {  	_ =	shalt  }
0x4a: {  	_ =	shalt  }
0x4b: {  	_ =	shalt  }
0x4c: {  	_ =	shalt  }
0x4d: {  	_ =	shalt  }
0x4e: {  	_ =	shalt  }
0x4f: {  	_ =	shalt  }
0x50: {  	_ =	shalt  }
0x51: {  	_ =	shalt  }
0x52: {  	_ =	shalt  }
0x53: {  	_ =	shalt  }
0x54: {  	_ =	shalt  }
0x55: {  	_ =	shalt  }
0x56: {  	_ =	shalt  }
0x57: {  	_ =	shalt  }
0x58: {  	_ =	shalt  }
0x59: {  	_ =	shalt  }
0x5a: {  	_ =	shalt  }
0x5b: {  	_ =	shalt  }
0x5c: {  	_ =	shalt  }
0x5d: {  	_ =	shalt  }
0x5e: {  	_ =	shalt  }
0x5f: {  	_ =	shalt  }
0x60: {  	_ =	shalt  }
0x61: {  	_ =	shalt  }
0x62: {  	_ =	shalt  }
0x63: {  	_ =	shalt  }
0x64: {  	_ =	shalt  }
0x65: {  	_ =	shalt  }
0x66: {  	_ =	shalt  }
0x67: {  	_ =	shalt  }
0x68: {  	_ =	shalt  }
0x69: {  	_ =	shalt  }
0x6a: {  	_ =	shalt  }
0x6b: {  	_ =	shalt  }
0x6c: {  	_ =	shalt  }
0x6d: {  	_ =	shalt  }
0x6e: {  	_ =	shalt  }
0x6f: {  	_ =	shalt  }
0x70: {  	_ =	shalt  }
0x71: {  	_ =	shalt  }
0x72: {  	_ =	shalt  }
0x73: {  	_ =	shalt  }
0x74: {  	_ =	shalt  }
0x75: {  	_ =	shalt  }
0x76: {  	_ =	shalt  }
0x77: {  	_ =	shalt  }
0x78: {  	_ =	shalt  }
0x79: {  	_ =	shalt  }
0x7a: {  	_ =	shalt  }
0x7b: {  	_ =	shalt  }
0x7c: {  	_ =	shalt  }
0x7d: {  	_ =	shalt  }
0x7e: {  	_ =	shalt  }
0x7f: {  	_ =	shalt  }
0x80: {  	_ =	shalt  }
0x81: {  	_ =	shalt  }
0x82: {  	_ =	shalt  }
0x83: {  	_ =	shalt  }
0x84: {  	_ =	shalt  }
0x85: {  	_ =	shalt  }
0x86: {  	_ =	shalt  }
0x87: {  	_ =	shalt  }
.Lfunc_end0:
.L_simem_size_0:
called_computation.1_lowered:
.L_overlay_start_0:
0x88: {  	s2 =	sld [smem:$0x3FD9]  }
0x89: {  	s3 =	sld [smem:$0x3FFE];
	_ =	sdelay $0x1  }
0x8a: {  	s1 =	srdreg.scid  }
0x8b: {  	s0 =	sand.u32 $0x1, s1  }
0x8c: {  	s16 =	sshll.u32 s0, $0xA;
	s2 =	sadd.s32 s3, s2  }
0x8d: {  	s2 =	sadd.s32 s2, s16  }
0x8e: {  	[smem:$0x3FC0] =	sst s2  }
0x8f: {  	_ = 	snop  }
0x90: {  	(tm) =	ssettm $0x1  }
0x91: {  	s17 =	sld [smem:$0x3FFB];
	_ =	sdelay $0x3  }
0x92: {  	_ =	strace s17  }
0x93: {  	s2 =	sld [smem:$0x3FFC];
	_ =	sdelay $0x3  }
0x94: {  	_ =	strace s2  }
0x95: {  	s2 =	sld [smem:$0x3FFD];
	_ =	sdelay $0x3  }
0x96: {  	_ =	strace s2  }
0x97: {  	_ =	strace $0x8FFFFFFF  }
0x98: {  	s18 =	sld [smem:$0x3FDB];
	_ =	sdelay $0x1  }
0x99: {  	s19 =	simm.s32 $_scs_section_size  }
0x9a: {  	s4 =	simm.s32 $_size__tile_overlayer_lowered;
	s5 =	simm.s32 $_tile_overlayer_lowered  }
0x9b: {  	s22 =	simm.s32 $0x1BFF;
	s21 =	sshll.u32 s5, $0x1;
	s2 =	sadd.s32 s19, s18  }
0x9c: {  	s6 =	simm.s32 $0x0;
	s20 =	sshll.u32 s4, $0x1;
	s4 =	sadd.s32 s21, s2  }
0x9d: {  	[timem:s6], [sflag:s22] =	dma.local [hbm:s4], s20  }
0x9e: {  	_ =	swait.ge [sflag:s22], s20  }
0x9f: {  	s3 =	ssub.s32 $0x0, s20;
	[sflag:s22] =	ssyncset.done $0x0  }
0xa0: {  	[sflag:s22] =	ssyncadd.s32 s3;
	_ =	sdelay $0x1  }
0xa1: {  	s23 =	simm.s32 $0x1B8B  }
0xa2: {  	_ =	swait.ge [sflag:s23], $0x1  }
0xa3: {  	[sflag:s23] =	ssyncset.done $0x0  }
0xa4: {  	s25 =	simm.s32 $0x1B8E;
	s24 =	sld [smem:$0x3FFE];
	[sflag:s23] =	ssyncadd.s32 $0xFFFFFFFF  }
0xa5: {  	s26 =	simm.s32 $execute0_lowered;
	[smem:$0x3FD2] =	sst s25  }
0xa6: {  	s4 =	sshll.u32 s26, $0x1;
	_ =	strace $0x80000049;
	[dreg:$0x1] =	wrdreg $0xFFFFFFFF  }
0xa7: {  	s28 =	simm.s32 $_size_execute0_lowered;
	s2 =	sadd.s32 s2, s4;
	[dreg:$0x0] =	wrdreg $0x0  }
0xa8: {  	s4 =	sshll.u32 s28, $0x1;
	[dreg:$0x2] =	wrdreg s2  }
0xa9: {  	[dreg:$0x3] =	wrdreg s4  }
0xaa: {  	[dreg:$0x4] =	wrdreg $0xC0  }
0xab: {  	_ =	task [dreg:s6], $0x5FFFF  }
0xac: {  	[dreg:$0x1] =	wrdreg $0xFFFFFFFF  }
0xad: {  	[dreg:$0x0] =	wrdreg $0x60  }
0xae: {  	[dreg:$0x2] =	wrdreg s24  }
0xaf: {  	[dreg:$0x3] =	wrdreg $0x9  }
0xb0: {  	_ =	task.clear_ibuf [dreg:s6], $0x4FFFF;
	_ =	strace $0x90000049  }
0xb1: {  	s29 =	simm.s32 $0x9;
	_ =	strace $0x8000004B  }
0xb2: {  	_ =	swait.ge [sflag:s29], $0x1  }
0xb3: {  	[sflag:s29] =	ssyncadd.s32 $0xFFFFFFFF  }
0xb4: {  	_ =	strace $0x9000004B  }
0xb5: {  	_ =	sfence  }
0xb6: {  	s30 =	sld [smem:$0x0];
	_ =	sdelay $0x2  }
0xb7: {  	s31 =	sshll.u32 s1, $0xD;
	s1 =	sshrl.u32 s1, $0x2  }
0xb8: {  	s3 =	sand.u32 $0x4000, s31;
	s1 =	sadd.s32 s1, s30  }
0xb9: {  	s0 =	sor.u32 s3, s0;
	s1 =	sshll.u32 s1, $0x11  }
0xba: {  	s0 =	sor.u32 s1, s0  }
0xbb: {  	s0 =	sadd.s32 $0x8F2B, s0  }
0xbc: {  	[sflag:s0] =	ssyncadd.remote.s32 $0x1  }
0xbd: {  	_ =	sfence.sel $0xFFFF  }
0xbe: {  	[dreg:$0x0] =	wrdreg $0xFFFFFFFF;
	(pc) =	sbr.abs _section_cstart, $3  }
0xbf: {  	[dreg:$0x1] =	wrdreg $0xFFFFFFFF  }
0xc0: {  	_ =	task.clear_ibuf [dreg:s6], $0x2FFFF;
	_ =	strace $0x9FFFFFFF  }
0xc1: {  	(tm) =	ssettm $0x7FFFFFFF  }
tec
execute0_lowered:
.L_overlay_start_1:
0x0: {  	(tag) =	ssettag $0x1  }
0x1: {  	s7 =	rddreg [dreg:$0x0]  }
0x2: {  	s0 =	rddreg [dreg:$0x1]  }
0x3: {  	s1 =	simm.s32 $0x0;
	s2 =	srdreg.scid;
	s13 =	simm.s32 $0x2  }
0x4: {  	s14 =	simm.s32 $0x200;
	s15 =	simm.s32 $0xA00;
	s16 =	simm.s32 $0x1200  }
0x5: {  	s17 =	simm.s32 $0x1A00;
	s18 =	simm.s32 $0x2200;
	s19 =	simm.s32 $0x2A00  }
0x6: {  	s20 =	simm.s32 $0x3200;
	s21 =	simm.s32 $0x3A00;
	s22 =	simm.s32 $0x4200  }
0x7: {  	s23 =	simm.s32 $0x4A00;
	s24 =	simm.s32 $0x5200;
	s28 =	simm.s32 $0x6A00  }
0x8: {  	s29 =	simm.s32 $0x7200;
	s30 =	simm.s32 $0x7A00;
	s31 =	simm.s32 $0x1  }
0x9: {  	[smem:$0x7FF] =	sst s1;
	s4 =	sand.u32 $0x1, s2;
	s3 =	sadd.s32 $0xF1C00, s7  }
0xa: {  	_ =	strace $0x8000004A;
	s2 =	sshll.u32 s4, $0x6;
	s8 =	sshll.u32 s4, $0xE  }
0xb: {  	s4 =	ssub.s32 $0x2, s4;
	s5 =	sadd.s32 s2, s7;
	s2 =	stileid.u32  }
0xc: {  	s25 =	sshrl.u32 s4, $0x1;
	s6 =	sshll.u32 s2, $0xF;
	s9 =	sshll.u32 s2, $0x7  }
0xd: {  	s12 =	ssub.s32 s4, s25;
	s25 =	simm.s32 $0x5A00;
	s6 =	sor.u32 s8, s6  }
0xe: {  	s26 =	sadd.s32 s9, s5;
	s5 =	sadd.s32 $0xF1D00, s7;
	s12 =	smax.u32 s12, $0x1  }
0xf: {  	v2 =	vlaneseq.u32;
	s11 =	sadd.s32 s6, s7;
	s4 =	sadd.s32 $0x1400, s26;
	s6 =	sadd.s32 $0xF1E00, s7  }
0x10: {  	vm0 =	vmmov $0xffff;
	v1 =	vshrl.u32 v2, $0x3;
	s7 =	sadd.s32 $0xF1F00, s7;
	s26 =	simm.s32 $0x6200;
	s8 =	sadd.s32 $0x1C00, s11  }
0x11: {  	v0 =	vand.u32 $0x7, v2;
	v2 =	vor.u32 $0x8, v2;
	v1 =	vmul.u32 $0x8, v1;
	s9 =	sadd.s32 $0x2C00, s11;
	s10 =	sadd.s32 $0x3C00, s11;
	s11 =	sadd.s32 $0x4C00, s11  }
.LBB2_1:
0x12: {  	[tilespmem:s1], [sflag:$0x2] =	stream.linear.gather [hbm4b:s4+s1], $0x200, $0x38;
	[tilespmem:$0x8200] =	vst v63  }
0x13: {  	_ =	swait.ge [sflag:s13], $0x200  }
0x14: {  	[sflag:s13] =	ssyncset.done $0x0  }
0x15: {  	[sflag:s13] =	ssyncadd.s32 $0xFFFFFE00  }
0x16: {  	v3 =	vld [tilespmem:$0x0];
	_ =	sdelay $0x4  }
0x17: {  	v4 =	vshll.u32 v3, $0x3  }
0x18: {  	v3 =	vand.u32 $0x7, v3;
	v4 =	vand.u32 $0xFFFFFFC0, v4  }
0x19: {  	v3 =	vor.u32 v3, v4  }
0x1a: {  	v4 =	vperm.xlane v3, v0;
	_ =	sdelay $0x1  }
0x1b: {  	v4 =	vadd.s32 v1, v4;
	_ =	sdelay $0x4  }
0x1c: {  	[tilespmem:s14], [sflag:$0x1] =	stream.indirect_vreg.gather [hbm4b:s3+s1], $0x80, v4, vm0, $0xb8;
	[tilespmem:$0x8200] =	vst v63  }
0x1d: {  	v3 =	vperm.xlane v3, v2  }
0x1e: {  	[tilespmem:s15], [sflag:$0x1] =	stream.indirect_vreg.gather [hbm4b:s5+s1], $0x80, v4, vm0, $0xb8;
	[tilespmem:$0x8200] =	vst v63  }
0x1f: {  	v3 =	vadd.s32 v1, v3  }
0x20: {  	[tilespmem:s16], [sflag:$0x1] =	stream.indirect_vreg.gather [hbm4b:s6+s1], $0x80, v4, vm0, $0xb8;
	[tilespmem:$0x8200] =	vst v63  }
0x21: {  	_ = 	snop  }
0x22: {  	[tilespmem:s17], [sflag:$0x1] =	stream.indirect_vreg.gather [hbm4b:s7+s1], $0x80, v4, vm0, $0xb8;
	[tilespmem:$0x8200] =	vst v63  }
0x23: {  	_ = 	snop  }
0x24: {  	[tilespmem:s18], [sflag:$0x1] =	stream.indirect_vreg.gather [hbm4b:s3+s1], $0x80, v3, vm0, $0xb8;
	[tilespmem:$0x8200] =	vst v63  }
0x25: {  	_ = 	snop  }
0x26: {  	[tilespmem:s19], [sflag:$0x1] =	stream.indirect_vreg.gather [hbm4b:s5+s1], $0x80, v3, vm0, $0xb8;
	[tilespmem:$0x8200] =	vst v63  }
0x27: {  	_ = 	snop  }
0x28: {  	[tilespmem:s20], [sflag:$0x1] =	stream.indirect_vreg.gather [hbm4b:s6+s1], $0x80, v3, vm0, $0xb8;
	[tilespmem:$0x8200] =	vst v63  }
0x29: {  	_ = 	snop  }
0x2a: {  	[tilespmem:s21], [sflag:$0x1] =	stream.indirect_vreg.gather [hbm4b:s7+s1], $0x80, v3, vm0, $0xb8;
	[tilespmem:$0x8200] =	vst v63  }
0x2b: {  	v3 =	vld [tilespmem:$0x10];
	_ =	sdelay $0x4  }
0x2c: {  	v57 =	vshll.u32 v3, $0x3  }
0x2d: {  	v3 =	vand.u32 $0x7, v3;
	v4 =	vand.u32 $0xFFFFFFC0, v57  }
0x2e: {  	v3 =	vor.u32 v3, v4  }
0x2f: {  	v4 =	vperm.xlane v3, v0;
	_ =	sdelay $0x1  }
0x30: {  	v4 =	vadd.s32 v1, v4;
	_ =	sdelay $0x4  }
0x31: {  	[tilespmem:s22], [sflag:$0x1] =	stream.indirect_vreg.gather [hbm4b:s3+s1], $0x80, v4, vm0, $0xb8;
	[tilespmem:$0x8200] =	vst v63  }
0x32: {  	v3 =	vperm.xlane v3, v2  }
0x33: {  	[tilespmem:s23], [sflag:$0x1] =	stream.indirect_vreg.gather [hbm4b:s5+s1], $0x80, v4, vm0, $0xb8;
	[tilespmem:$0x8200] =	vst v63  }
0x34: {  	v3 =	vadd.s32 v1, v3  }
0x35: {  	[tilespmem:s24], [sflag:$0x1] =	stream.indirect_vreg.gather [hbm4b:s6+s1], $0x80, v4, vm0, $0xb8;
	[tilespmem:$0x8200] =	vst v63  }
0x36: {  	_ = 	snop  }
0x37: {  	[tilespmem:s25], [sflag:$0x1] =	stream.indirect_vreg.gather [hbm4b:s7+s1], $0x80, v4, vm0, $0xb8;
	[tilespmem:$0x8200] =	vst v63  }
0x38: {  	_ = 	snop  }
0x39: {  	[tilespmem:s26], [sflag:$0x1] =	stream.indirect_vreg.gather [hbm4b:s3+s1], $0x80, v3, vm0, $0xb8;
	[tilespmem:$0x8200] =	vst v63  }
0x3a: {  	_ = 	snop  }
0x3b: {  	[tilespmem:s28], [sflag:$0x1] =	stream.indirect_vreg.gather [hbm4b:s5+s1], $0x80, v3, vm0, $0xb8;
	[tilespmem:$0x8200] =	vst v63  }
0x3c: {  	_ = 	snop  }
0x3d: {  	[tilespmem:s29], [sflag:$0x1] =	stream.indirect_vreg.gather [hbm4b:s6+s1], $0x80, v3, vm0, $0xb8;
	[tilespmem:$0x8200] =	vst v63  }
0x3e: {  	_ = 	snop  }
0x3f: {  	[tilespmem:s30], [sflag:$0x1] =	stream.indirect_vreg.gather [hbm4b:s7+s1], $0x80, v3, vm0, $0xb8;
	[tilespmem:$0x8200] =	vst v63  }
0x40: {  	_ =	swait.ge [sflag:s31], $0x8000  }
0x41: {  	[sflag:s31] =	ssyncset.done $0x0  }
0x42: {  	[sflag:s31] =	ssyncadd.s32 $0xFFFF8000  }
0x43: {  	[hbm4b:s8+s1] =	stream.linear.scatter [tilespmem:s14], [sflag:$0x2], $0x8000, $0x38;
	[tilespmem:$0x8200] =	vst v63  }
0x44: {  	_ =	swait.ge [sflag:s13], $0x8000  }
0x45: {  	[sflag:s13] =	ssyncset.done $0x0  }
0x46: {  	[sflag:s13] =	ssyncadd.s32 $0xFFFF8000  }
0x47: {  	v3 =	vld [tilespmem:$0x80];
	_ =	sdelay $0x4  }
0x48: {  	v58 =	vshll.u32 v3, $0x3  }
0x49: {  	v3 =	vand.u32 $0x7, v3;
	v4 =	vand.u32 $0xFFFFFFC0, v58  }
0x4a: {  	v3 =	vor.u32 v3, v4  }
0x4b: {  	v4 =	vperm.xlane v3, v0;
	_ =	sdelay $0x1  }
0x4c: {  	v4 =	vadd.s32 v1, v4;
	_ =	sdelay $0x4  }
0x4d: {  	[tilespmem:s14], [sflag:$0x1] =	stream.indirect_vreg.gather [hbm4b:s3+s1], $0x80, v4, vm0, $0xb8;
	[tilespmem:$0x8200] =	vst v63  }
0x4e: {  	v3 =	vperm.xlane v3, v2  }
0x4f: {  	[tilespmem:s15], [sflag:$0x1] =	stream.indirect_vreg.gather [hbm4b:s5+s1], $0x80, v4, vm0, $0xb8;
	[tilespmem:$0x8200] =	vst v63  }
0x50: {  	v3 =	vadd.s32 v1, v3  }
0x51: {  	[tilespmem:s16], [sflag:$0x1] =	stream.indirect_vreg.gather [hbm4b:s6+s1], $0x80, v4, vm0, $0xb8;
	[tilespmem:$0x8200] =	vst v63  }
0x52: {  	_ = 	snop  }
0x53: {  	[tilespmem:s17], [sflag:$0x1] =	stream.indirect_vreg.gather [hbm4b:s7+s1], $0x80, v4, vm0, $0xb8;
	[tilespmem:$0x8200] =	vst v63  }
0x54: {  	_ = 	snop  }
0x55: {  	[tilespmem:s18], [sflag:$0x1] =	stream.indirect_vreg.gather [hbm4b:s3+s1], $0x80, v3, vm0, $0xb8;
	[tilespmem:$0x8200] =	vst v63  }
0x56: {  	_ = 	snop  }
0x57: {  	[tilespmem:s19], [sflag:$0x1] =	stream.indirect_vreg.gather [hbm4b:s5+s1], $0x80, v3, vm0, $0xb8;
	[tilespmem:$0x8200] =	vst v63  }
0x58: {  	_ = 	snop  }
0x59: {  	[tilespmem:s20], [sflag:$0x1] =	stream.indirect_vreg.gather [hbm4b:s6+s1], $0x80, v3, vm0, $0xb8;
	[tilespmem:$0x8200] =	vst v63  }
0x5a: {  	_ = 	snop  }
0x5b: {  	[tilespmem:s21], [sflag:$0x1] =	stream.indirect_vreg.gather [hbm4b:s7+s1], $0x80, v3, vm0, $0xb8;
	[tilespmem:$0x8200] =	vst v63  }
0x5c: {  	v3 =	vld [tilespmem:$0x90];
	_ =	sdelay $0x4  }
0x5d: {  	v59 =	vshll.u32 v3, $0x3  }
0x5e: {  	v3 =	vand.u32 $0x7, v3;
	v4 =	vand.u32 $0xFFFFFFC0, v59  }
0x5f: {  	v3 =	vor.u32 v3, v4  }
0x60: {  	v4 =	vperm.xlane v3, v0;
	_ =	sdelay $0x1  }
0x61: {  	v4 =	vadd.s32 v1, v4;
	_ =	sdelay $0x4  }
0x62: {  	[tilespmem:s22], [sflag:$0x1] =	stream.indirect_vreg.gather [hbm4b:s3+s1], $0x80, v4, vm0, $0xb8;
	[tilespmem:$0x8200] =	vst v63  }
0x63: {  	v3 =	vperm.xlane v3, v2  }
0x64: {  	[tilespmem:s23], [sflag:$0x1] =	stream.indirect_vreg.gather [hbm4b:s5+s1], $0x80, v4, vm0, $0xb8;
	[tilespmem:$0x8200] =	vst v63  }
0x65: {  	v3 =	vadd.s32 v1, v3  }
0x66: {  	[tilespmem:s24], [sflag:$0x1] =	stream.indirect_vreg.gather [hbm4b:s6+s1], $0x80, v4, vm0, $0xb8;
	[tilespmem:$0x8200] =	vst v63  }
0x67: {  	_ = 	snop  }
0x68: {  	[tilespmem:s25], [sflag:$0x1] =	stream.indirect_vreg.gather [hbm4b:s7+s1], $0x80, v4, vm0, $0xb8;
	[tilespmem:$0x8200] =	vst v63  }
0x69: {  	_ = 	snop  }
0x6a: {  	[tilespmem:s26], [sflag:$0x1] =	stream.indirect_vreg.gather [hbm4b:s3+s1], $0x80, v3, vm0, $0xb8;
	[tilespmem:$0x8200] =	vst v63  }
0x6b: {  	_ = 	snop  }
0x6c: {  	[tilespmem:s28], [sflag:$0x1] =	stream.indirect_vreg.gather [hbm4b:s5+s1], $0x80, v3, vm0, $0xb8;
	[tilespmem:$0x8200] =	vst v63  }
0x6d: {  	_ = 	snop  }
0x6e: {  	[tilespmem:s29], [sflag:$0x1] =	stream.indirect_vreg.gather [hbm4b:s6+s1], $0x80, v3, vm0, $0xb8;
	[tilespmem:$0x8200] =	vst v63  }
0x6f: {  	_ = 	snop  }
0x70: {  	[tilespmem:s30], [sflag:$0x1] =	stream.indirect_vreg.gather [hbm4b:s7+s1], $0x80, v3, vm0, $0xb8;
	[tilespmem:$0x8200] =	vst v63  }
0x71: {  	_ =	swait.ge [sflag:s31], $0x8000  }
0x72: {  	[sflag:s31] =	ssyncset.done $0x0  }
0x73: {  	[sflag:s31] =	ssyncadd.s32 $0xFFFF8000  }
0x74: {  	[hbm4b:s9+s1] =	stream.linear.scatter [tilespmem:s14], [sflag:$0x2], $0x8000, $0x38;
	[tilespmem:$0x8200] =	vst v63  }
0x75: {  	_ =	swait.ge [sflag:s13], $0x8000  }
0x76: {  	[sflag:s13] =	ssyncset.done $0x0  }
0x77: {  	[sflag:s13] =	ssyncadd.s32 $0xFFFF8000  }
0x78: {  	v3 =	vld [tilespmem:$0x100];
	_ =	sdelay $0x4  }
0x79: {  	v60 =	vshll.u32 v3, $0x3  }
0x7a: {  	v3 =	vand.u32 $0x7, v3;
	v4 =	vand.u32 $0xFFFFFFC0, v60  }
0x7b: {  	v3 =	vor.u32 v3, v4  }
0x7c: {  	v4 =	vperm.xlane v3, v0;
	_ =	sdelay $0x1  }
0x7d: {  	v4 =	vadd.s32 v1, v4;
	_ =	sdelay $0x4  }
0x7e: {  	[tilespmem:s14], [sflag:$0x1] =	stream.indirect_vreg.gather [hbm4b:s3+s1], $0x80, v4, vm0, $0xb8;
	[tilespmem:$0x8200] =	vst v63  }
0x7f: {  	v3 =	vperm.xlane v3, v2  }
0x80: {  	[tilespmem:s15], [sflag:$0x1] =	stream.indirect_vreg.gather [hbm4b:s5+s1], $0x80, v4, vm0, $0xb8;
	[tilespmem:$0x8200] =	vst v63  }
0x81: {  	v3 =	vadd.s32 v1, v3  }
0x82: {  	[tilespmem:s16], [sflag:$0x1] =	stream.indirect_vreg.gather [hbm4b:s6+s1], $0x80, v4, vm0, $0xb8;
	[tilespmem:$0x8200] =	vst v63  }
0x83: {  	_ = 	snop  }
0x84: {  	[tilespmem:s17], [sflag:$0x1] =	stream.indirect_vreg.gather [hbm4b:s7+s1], $0x80, v4, vm0, $0xb8;
	[tilespmem:$0x8200] =	vst v63  }
0x85: {  	_ = 	snop  }
0x86: {  	[tilespmem:s18], [sflag:$0x1] =	stream.indirect_vreg.gather [hbm4b:s3+s1], $0x80, v3, vm0, $0xb8;
	[tilespmem:$0x8200] =	vst v63  }
0x87: {  	_ = 	snop  }
0x88: {  	[tilespmem:s19], [sflag:$0x1] =	stream.indirect_vreg.gather [hbm4b:s5+s1], $0x80, v3, vm0, $0xb8;
	[tilespmem:$0x8200] =	vst v63  }
0x89: {  	_ = 	snop  }
0x8a: {  	[tilespmem:s20], [sflag:$0x1] =	stream.indirect_vreg.gather [hbm4b:s6+s1], $0x80, v3, vm0, $0xb8;
	[tilespmem:$0x8200] =	vst v63  }
0x8b: {  	_ = 	snop  }
0x8c: {  	[tilespmem:s21], [sflag:$0x1] =	stream.indirect_vreg.gather [hbm4b:s7+s1], $0x80, v3, vm0, $0xb8;
	[tilespmem:$0x8200] =	vst v63  }
0x8d: {  	v3 =	vld [tilespmem:$0x110];
	_ =	sdelay $0x4  }
0x8e: {  	v61 =	vshll.u32 v3, $0x3  }
0x8f: {  	v3 =	vand.u32 $0x7, v3;
	v4 =	vand.u32 $0xFFFFFFC0, v61  }
0x90: {  	v3 =	vor.u32 v3, v4  }
0x91: {  	v4 =	vperm.xlane v3, v0;
	_ =	sdelay $0x1  }
0x92: {  	v4 =	vadd.s32 v1, v4;
	_ =	sdelay $0x4  }
0x93: {  	[tilespmem:s22], [sflag:$0x1] =	stream.indirect_vreg.gather [hbm4b:s3+s1], $0x80, v4, vm0, $0xb8;
	[tilespmem:$0x8200] =	vst v63  }
0x94: {  	v3 =	vperm.xlane v3, v2  }
0x95: {  	[tilespmem:s23], [sflag:$0x1] =	stream.indirect_vreg.gather [hbm4b:s5+s1], $0x80, v4, vm0, $0xb8;
	[tilespmem:$0x8200] =	vst v63  }
0x96: {  	v3 =	vadd.s32 v1, v3  }
0x97: {  	[tilespmem:s24], [sflag:$0x1] =	stream.indirect_vreg.gather [hbm4b:s6+s1], $0x80, v4, vm0, $0xb8;
	[tilespmem:$0x8200] =	vst v63  }
0x98: {  	_ = 	snop  }
0x99: {  	[tilespmem:s25], [sflag:$0x1] =	stream.indirect_vreg.gather [hbm4b:s7+s1], $0x80, v4, vm0, $0xb8;
	[tilespmem:$0x8200] =	vst v63  }
0x9a: {  	_ = 	snop  }
0x9b: {  	[tilespmem:s26], [sflag:$0x1] =	stream.indirect_vreg.gather [hbm4b:s3+s1], $0x80, v3, vm0, $0xb8;
	[tilespmem:$0x8200] =	vst v63  }
0x9c: {  	_ = 	snop  }
0x9d: {  	[tilespmem:s28], [sflag:$0x1] =	stream.indirect_vreg.gather [hbm4b:s5+s1], $0x80, v3, vm0, $0xb8;
	[tilespmem:$0x8200] =	vst v63  }
0x9e: {  	_ = 	snop  }
0x9f: {  	[tilespmem:s29], [sflag:$0x1] =	stream.indirect_vreg.gather [hbm4b:s6+s1], $0x80, v3, vm0, $0xb8;
	[tilespmem:$0x8200] =	vst v63  }
0xa0: {  	_ = 	snop  }
0xa1: {  	[tilespmem:s30], [sflag:$0x1] =	stream.indirect_vreg.gather [hbm4b:s7+s1], $0x80, v3, vm0, $0xb8;
	[tilespmem:$0x8200] =	vst v63  }
0xa2: {  	_ =	swait.ge [sflag:s31], $0x8000  }
0xa3: {  	[sflag:s31] =	ssyncset.done $0x0  }
0xa4: {  	[sflag:s31] =	ssyncadd.s32 $0xFFFF8000  }
0xa5: {  	[hbm4b:s10+s1] =	stream.linear.scatter [tilespmem:s14], [sflag:$0x2], $0x8000, $0x38;
	[tilespmem:$0x8200] =	vst v63  }
0xa6: {  	_ =	swait.ge [sflag:s13], $0x8000  }
0xa7: {  	[sflag:s13] =	ssyncset.done $0x0  }
0xa8: {  	[sflag:s13] =	ssyncadd.s32 $0xFFFF8000  }
0xa9: {  	v3 =	vld [tilespmem:$0x180];
	_ =	sdelay $0x4  }
0xaa: {  	v62 =	vshll.u32 v3, $0x3  }
0xab: {  	v3 =	vand.u32 $0x7, v3;
	v4 =	vand.u32 $0xFFFFFFC0, v62  }
0xac: {  	v3 =	vor.u32 v3, v4  }
0xad: {  	v4 =	vperm.xlane v3, v0;
	_ =	sdelay $0x1  }
0xae: {  	v4 =	vadd.s32 v1, v4;
	_ =	sdelay $0x4  }
0xaf: {  	[tilespmem:s14], [sflag:$0x1] =	stream.indirect_vreg.gather [hbm4b:s3+s1], $0x80, v4, vm0, $0xb8;
	[tilespmem:$0x8200] =	vst v63  }
0xb0: {  	v3 =	vperm.xlane v3, v2  }
0xb1: {  	[tilespmem:s15], [sflag:$0x1] =	stream.indirect_vreg.gather [hbm4b:s5+s1], $0x80, v4, vm0, $0xb8;
	[tilespmem:$0x8200] =	vst v63  }
0xb2: {  	v3 =	vadd.s32 v1, v3  }
0xb3: {  	[tilespmem:s16], [sflag:$0x1] =	stream.indirect_vreg.gather [hbm4b:s6+s1], $0x80, v4, vm0, $0xb8;
	[tilespmem:$0x8200] =	vst v63  }
0xb4: {  	_ = 	snop  }
0xb5: {  	[tilespmem:s17], [sflag:$0x1] =	stream.indirect_vreg.gather [hbm4b:s7+s1], $0x80, v4, vm0, $0xb8;
	[tilespmem:$0x8200] =	vst v63  }
0xb6: {  	_ = 	snop  }
0xb7: {  	[tilespmem:s18], [sflag:$0x1] =	stream.indirect_vreg.gather [hbm4b:s3+s1], $0x80, v3, vm0, $0xb8;
	[tilespmem:$0x8200] =	vst v63  }
0xb8: {  	_ = 	snop  }
0xb9: {  	[tilespmem:s19], [sflag:$0x1] =	stream.indirect_vreg.gather [hbm4b:s5+s1], $0x80, v3, vm0, $0xb8;
	[tilespmem:$0x8200] =	vst v63  }
0xba: {  	_ = 	snop  }
0xbb: {  	[tilespmem:s20], [sflag:$0x1] =	stream.indirect_vreg.gather [hbm4b:s6+s1], $0x80, v3, vm0, $0xb8;
	[tilespmem:$0x8200] =	vst v63  }
0xbc: {  	_ = 	snop  }
0xbd: {  	[tilespmem:s21], [sflag:$0x1] =	stream.indirect_vreg.gather [hbm4b:s7+s1], $0x80, v3, vm0, $0xb8;
	[tilespmem:$0x8200] =	vst v63  }
0xbe: {  	v3 =	vld [tilespmem:$0x190];
	_ =	sdelay $0x4  }
0xbf: {  	v63 =	vshll.u32 v3, $0x3  }
0xc0: {  	v3 =	vand.u32 $0x7, v3;
	v4 =	vand.u32 $0xFFFFFFC0, v63  }
0xc1: {  	v3 =	vor.u32 v3, v4  }
0xc2: {  	v4 =	vperm.xlane v3, v0;
	_ =	sdelay $0x1  }
0xc3: {  	v4 =	vadd.s32 v1, v4;
	_ =	sdelay $0x4  }
0xc4: {  	[tilespmem:s22], [sflag:$0x1] =	stream.indirect_vreg.gather [hbm4b:s3+s1], $0x80, v4, vm0, $0xb8;
	[tilespmem:$0x8200] =	vst v63  }
0xc5: {  	v3 =	vperm.xlane v3, v2  }
0xc6: {  	[tilespmem:s23], [sflag:$0x1] =	stream.indirect_vreg.gather [hbm4b:s5+s1], $0x80, v4, vm0, $0xb8;
	[tilespmem:$0x8200] =	vst v63  }
0xc7: {  	v3 =	vadd.s32 v1, v3  }
0xc8: {  	[tilespmem:s24], [sflag:$0x1] =	stream.indirect_vreg.gather [hbm4b:s6+s1], $0x80, v4, vm0, $0xb8;
	[tilespmem:$0x8200] =	vst v63  }
0xc9: {  	_ = 	snop  }
0xca: {  	[tilespmem:s25], [sflag:$0x1] =	stream.indirect_vreg.gather [hbm4b:s7+s1], $0x80, v4, vm0, $0xb8;
	[tilespmem:$0x8200] =	vst v63  }
0xcb: {  	_ = 	snop  }
0xcc: {  	[tilespmem:s26], [sflag:$0x1] =	stream.indirect_vreg.gather [hbm4b:s3+s1], $0x80, v3, vm0, $0xb8;
	[tilespmem:$0x8200] =	vst v63  }
0xcd: {  	_ = 	snop  }
0xce: {  	[tilespmem:s28], [sflag:$0x1] =	stream.indirect_vreg.gather [hbm4b:s5+s1], $0x80, v3, vm0, $0xb8;
	[tilespmem:$0x8200] =	vst v63  }
0xcf: {  	_ = 	snop  }
0xd0: {  	[tilespmem:s29], [sflag:$0x1] =	stream.indirect_vreg.gather [hbm4b:s6+s1], $0x80, v3, vm0, $0xb8;
	[tilespmem:$0x8200] =	vst v63  }
0xd1: {  	_ = 	snop  }
0xd2: {  	[tilespmem:s30], [sflag:$0x1] =	stream.indirect_vreg.gather [hbm4b:s7+s1], $0x80, v3, vm0, $0xb8;
	[tilespmem:$0x8200] =	vst v63  }
0xd3: {  	_ =	swait.ge [sflag:s31], $0x8000  }
0xd4: {  	p0 =	sne.s32 s12, $0x1;
	[sflag:s31] =	ssyncset.done $0x0  }
.Ltmp0:
0xd5: {  	[sflag:s31] =	ssyncadd.s32 $0xFFFF8000;
	(pc) =	sbr.rel @p0 .LBB2_1-.Ltmp0, $4  }
0xd6: {  	[hbm4b:s11+s1] =	stream.linear.scatter [tilespmem:s14], [sflag:$0x2], $0x8000, $0x38;
	[tilespmem:$0x8200] =	vst v63  }
0xd7: {  	_ =	swait.ge [sflag:s13], $0x8000  }
0xd8: {  	[sflag:s13] =	ssyncset.done $0x0  }
0xd9: {  	s12 =	sadd.s32 $0xFFFFFFFF, s12;
	[sflag:s13] =	ssyncadd.s32 $0xFFFF8000  }
0xda: {  	_ =	sfence.sel $0x180000  }
0xdb: {  	[bflag:$0x0] =	sbarrier.arrive $0xFFFF  }
0xdc: {  	p0 =	sne.s32 s2, $0x0;
	_ =	strace $0x9000004A  }
0xdd: {  	s0 =	sadd.s32 @!p0 $0x100000, s0;
	[bflag:$0x2] =	sbarrier.arrive $0xFFFF  }
0xde: {  	[sflag:s0] =	ssyncadd.tile.s32 @!p0 $0x1;
	_ =	shalt  }
.Lfunc_end2:
_tile_overlayer_lowered:
.L_overlay_start_2:
0xdf: {  	(tag) =	ssettag $0x2  }
0xe0: {  	s0 =	rddreg [dreg:$0x0];
	s2 =	stileid.u32  }
0xe1: {  	s1 =	rddreg [dreg:$0x1];
	p0 =	sne.s32 s2, $0x0  }
0xe2: {  	s3 =	rddreg [dreg:$0x2];
	[bflag:$0x3] =	sbarrier.arrive $0xFFFF;
	s2 =	simm.s32 @!p0 $0x1C02  }
0xe3: {  	[timem:s3], [sflag:s2] =	dma.local @!p0 [hbm:s0], s1  }
0xe4: {  	s0 =	simm.s32 @!p0 $0x2  }
0xe5: {  	_ =	swait.ge @!p0 [sflag:s0], s1  }
0xe6: {  	s1 =	ssub.s32 @!p0 $0x0, s1;
	[sflag:s0] =	ssyncset.done @!p0 $0x0  }
0xe7: {  	[sflag:s0] =	ssyncadd.s32 @!p0 s1  }
0xe8: {  	[bflag:$0x3] =	sbarrier.arrive $0xFFFF  }
0xe9: {  	_ =	shalt  }

// kernel: kernel.8.cloned.1.call-start
scs
__scs_entry_jumppad:
0x0: {  	(pc) =	sbr.rel $0x88, $3  }
0x1: {  	(tag) =	ssettag $0x0;
	lr =	simm.s32 $0x1  }
0x2: {  	[smem:$0x3F99] =	sst lr;
	_ =	strace $0xD0000000  }
0x3: {  	_ = 	snop  }
0x4: {  	_ = 	snop  }
0x5: {  	_ = 	snop  }
0x6: {  	_ = 	snop  }
0x7: {  	_ = 	snop  }
__scs_overlays_trampoline_lowered:
0x8: {  	[smem:$0x3FA8] =	sst s0  }
0x9: {  	[smem:$0x3FA9] =	sst s1  }
0xa: {  	[smem:$0x3FAA] =	sst s2  }
0xb: {  	[smem:$0x3FAB] =	sst s3  }
0xc: {  	[smem:$0x3FAC] =	sst s4  }
0xd: {  	[smem:$0x3FAD] =	sst s5  }
0xe: {  	[smem:$0x3FAE] =	sst s6  }
0xf: {  	[smem:$0x3FAF] =	sst s7  }
0x10: {  	[smem:$0x3FB0] =	sst s8  }
0x11: {  	[smem:$0x3FB1] =	sst s9;
	s0 =	simm.s32 @!p0 $0x0  }
0x12: {  	s1 =	sld [smem:$0x3F97];
	s0 =	simm.s32 @p0 $0x1  }
0x13: {  	[smem:$0x3FB2] =	sst s0;
	s0 =	simm.s32 @!p1 $0x0  }
0x14: {  	s2 =	sld [smem:$0x3F96];
	s0 =	simm.s32 @p1 $0x1  }
0x15: {  	[smem:$0x3FB3] =	sst s0;
	s0 =	simm.s32 @!p2 $0x0  }
0x16: {  	s3 =	sld [smem:$0x3FDB];
	s0 =	simm.s32 @p2 $0x1  }
0x17: {  	s4 =	simm.s32 $0x1BF5;
	[smem:$0x3FB5] =	sst s0  }
0x18: {  	s0 =	sld [smem:$0x3F98];
	_ =	swait.ge [sflag:s4], $0x0  }
0x19: {  	s7 =	sld [smem:$0x3F99]  }
0x1a: {  	s8 =	sadd.s32 $0xFFFFE003, lr  }
0x1b: {  	s9 =	sadd.s32 $0xFFFFFEF7, lr;
	s5 =	simm.s32 $0xFFFFFFFF;
	p2 =	slt.u32 s8, $0xFFFFF086  }
0x1c: {  	p1 =	slt.u32 s9, $0xF7A;
	s5 =	simm.s32 @!p2 $0x0  }
0x1d: {  	s5 =	simm.s32 @p1 $0x1;
	p0 =	seq.s32 s7, s2  }
0x1e: {  	s7 =	smul.u32 @!p0 $0xF7A, s2;
	p2 =	seq.s32 @!p0 s5, $0x0  }
0x1f: {  	s9 =	smul.u32 $0xF7A, s1;
	s8 =	simm.s32 @!p0 $0x1BF5;
	p2 =	por !p2, p0  }
0x20: {  	[sflag:s8] =	ssyncset.s32 @!p0 $0xFFFFF086;
	s6 =	sadd.s32 @!p0 s3, s7;
	s7 =	simm.s32 @!p0 $0x108  }
0x21: {  	s3 =	sadd.s32 s3, s9;
	s6 =	sadd.s32 @!p0 $0x88, s6;
	s7 =	simm.s32 @p2 $0x1082  }
0x22: {  	[simem:s7], [sflag:s8] =	dma.local @!p0 [hbm:s6], $0xF7A  }
0x23: {  	s9 =	sor.u32 $0xD0000000, s2;
	s6 =	simm.s32 $0x108;
	_ =	swait.ge @!p0 [sflag:s8], $0x0  }
0x24: {  	s3 =	sadd.s32 $0x88, s3;
	s6 =	simm.s32 @!p1 $0x1082;
	[sflag:s4] =	ssyncset.s32 $0xFFFFF086  }
0x25: {  	[simem:s6], [sflag:s4] =	dma.local [hbm:s3], $0xF7A  }
0x26: {  	[smem:$0x3F99] =	sst s1;
	(tag) =	ssettag s2;
	_ =	strace s9  }
0x27: {  	s1 =	sld [smem:$0x3FA9]  }
0x28: {  	s2 =	sld [smem:$0x3FAA]  }
0x29: {  	s4 =	sld [smem:$0x3FAC]  }
0x2a: {  	p0 =	seq.s32 s5, $0x0;
	s5 =	sld [smem:$0x3FAD]  }
0x2b: {  	s6 =	sld [smem:$0x3FAE]  }
0x2c: {  	s7 =	sld [smem:$0x3FAF]  }
0x2d: {  	s3 =	simm.s32 $0x108;
	s8 =	sld [smem:$0x3FB0]  }
0x2e: {  	s3 =	simm.s32 @!p0 $0x1082;
	s9 =	sld [smem:$0x3FB1]  }
0x2f: {  	lr =	sadd.s32 s0, s3;
	s0 =	sld [smem:$0x3FA8]  }
0x30: {  	s3 =	sld [smem:$0x3FAB]  }
0x31: {  	[smem:$0x3FB4] =	sst s10  }
0x32: {  	s10 =	sld [smem:$0x3FB2];
	_ =	sdelay $0x3  }
0x33: {  	p0 =	seq.s32 s10, $0x1;
	s10 =	sld [smem:$0x3FB4];
	_ =	sdelay $0x3  }
0x34: {  	[smem:$0x3FB4] =	sst s10  }
0x35: {  	s10 =	sld [smem:$0x3FB3];
	_ =	sdelay $0x3  }
0x36: {  	p1 =	seq.s32 s10, $0x1;
	s10 =	sld [smem:$0x3FB4];
	_ =	sdelay $0x3  }
0x37: {  	[smem:$0x3FB4] =	sst s10  }
0x38: {  	s10 =	sld [smem:$0x3FB5]  }
0x39: {  	_ = 	snop;
	(pc) =	sbr.ind lr, $3  }
0x3a: {  	_ = 	snop  }
0x3b: {  	_ = 	snop  }
0x3c: {  	p2 =	seq.s32 s10, $0x1;
	s10 =	sld [smem:$0x3FB4]  }
0x3d: {  	_ =	shalt  }
0x3e: {  	_ =	shalt  }
0x3f: {  	_ =	shalt  }
0x40: {  	_ =	shalt  }
0x41: {  	_ =	shalt  }
0x42: {  	_ =	shalt  }
0x43: {  	_ =	shalt  }
0x44: {  	_ =	shalt  }
0x45: {  	_ =	shalt  }
0x46: {  	_ =	shalt  }
0x47: {  	_ =	shalt  }
0x48: {  	_ =	shalt  }
0x49: {  	_ =	shalt  }
0x4a: {  	_ =	shalt  }
0x4b: {  	_ =	shalt  }
0x4c: {  	_ =	shalt  }
0x4d: {  	_ =	shalt  }
0x4e: {  	_ =	shalt  }
0x4f: {  	_ =	shalt  }
0x50: {  	_ =	shalt  }
0x51: {  	_ =	shalt  }
0x52: {  	_ =	shalt  }
0x53: {  	_ =	shalt  }
0x54: {  	_ =	shalt  }
0x55: {  	_ =	shalt  }
0x56: {  	_ =	shalt  }
0x57: {  	_ =	shalt  }
0x58: {  	_ =	shalt  }
0x59: {  	_ =	shalt  }
0x5a: {  	_ =	shalt  }
0x5b: {  	_ =	shalt  }
0x5c: {  	_ =	shalt  }
0x5d: {  	_ =	shalt  }
0x5e: {  	_ =	shalt  }
0x5f: {  	_ =	shalt  }
0x60: {  	_ =	shalt  }
0x61: {  	_ =	shalt  }
0x62: {  	_ =	shalt  }
0x63: {  	_ =	shalt  }
0x64: {  	_ =	shalt  }
0x65: {  	_ =	shalt  }
0x66: {  	_ =	shalt  }
0x67: {  	_ =	shalt  }
0x68: {  	_ =	shalt  }
0x69: {  	_ =	shalt  }
0x6a: {  	_ =	shalt  }
0x6b: {  	_ =	shalt  }
0x6c: {  	_ =	shalt  }
0x6d: {  	_ =	shalt  }
0x6e: {  	_ =	shalt  }
0x6f: {  	_ =	shalt  }
0x70: {  	_ =	shalt  }
0x71: {  	_ =	shalt  }
0x72: {  	_ =	shalt  }
0x73: {  	_ =	shalt  }
0x74: {  	_ =	shalt  }
0x75: {  	_ =	shalt  }
0x76: {  	_ =	shalt  }
0x77: {  	_ =	shalt  }
0x78: {  	_ =	shalt  }
0x79: {  	_ =	shalt  }
0x7a: {  	_ =	shalt  }
0x7b: {  	_ =	shalt  }
0x7c: {  	_ =	shalt  }
0x7d: {  	_ =	shalt  }
0x7e: {  	_ =	shalt  }
0x7f: {  	_ =	shalt  }
0x80: {  	_ =	shalt  }
0x81: {  	_ =	shalt  }
0x82: {  	_ =	shalt  }
0x83: {  	_ =	shalt  }
0x84: {  	_ =	shalt  }
0x85: {  	_ =	shalt  }
0x86: {  	_ =	shalt  }
0x87: {  	_ =	shalt  }
.Lfunc_end0:
.L_simem_size_0:
called_computation_lowered:
.L_overlay_start_0:
0x88: {  	s2 =	sld [smem:$0x3FD9]  }
0x89: {  	s3 =	sld [smem:$0x3FFE];
	_ =	sdelay $0x1  }
0x8a: {  	s1 =	srdreg.scid  }
0x8b: {  	s0 =	sand.u32 $0x1, s1  }
0x8c: {  	s17 =	sshll.u32 s0, $0xA;
	s2 =	sadd.s32 s3, s2  }
0x8d: {  	s2 =	sadd.s32 s2, s17  }
0x8e: {  	[smem:$0x3FC0] =	sst s2  }
0x8f: {  	_ = 	snop  }
0x90: {  	s2 =	sld [smem:$0x3FC9];
	(tm) =	ssettm $0x1  }
0x91: {  	s18 =	sld [smem:$0x3FFB];
	_ =	sdelay $0x3  }
0x92: {  	_ =	strace s18  }
0x93: {  	s3 =	sld [smem:$0x3FFC];
	_ =	sdelay $0x3  }
0x94: {  	_ =	strace s3  }
0x95: {  	s3 =	sld [smem:$0x3FFD];
	_ =	sdelay $0x3  }
0x96: {  	_ =	strace s3  }
0x97: {  	_ =	strace $0x8FFFFFFF  }
0x98: {  	s19 =	sld [smem:$0x3FDB];
	_ =	sdelay $0x1  }
0x99: {  	s4 =	simm.s32 $_scs_section_size  }
0x9a: {  	s5 =	simm.s32 $_size__tile_overlayer_lowered;
	s6 =	simm.s32 $_tile_overlayer_lowered  }
0x9b: {  	s22 =	simm.s32 $0x1BFF;
	s21 =	sshll.u32 s6, $0x1;
	s3 =	sadd.s32 s4, s19  }
0x9c: {  	s7 =	simm.s32 $0x0;
	s20 =	sshll.u32 s5, $0x1;
	s5 =	sadd.s32 s21, s3  }
0x9d: {  	[timem:s7], [sflag:s22] =	dma.local [hbm:s5], s20  }
0x9e: {  	_ =	swait.ge [sflag:s22], s20  }
0x9f: {  	s4 =	ssub.s32 $0x0, s20;
	[sflag:s22] =	ssyncset.done $0x0  }
0xa0: {  	[sflag:s22] =	ssyncadd.s32 s4;
	_ =	sdelay $0x1  }
0xa1: {  	s23 =	simm.s32 $0x1B8B  }
0xa2: {  	_ =	swait.ge [sflag:s23], $0x1  }
0xa3: {  	[sflag:s23] =	ssyncset.done $0x0  }
0xa4: {  	s25 =	simm.s32 $0x1B8E;
	s24 =	sld [smem:$0x3FFE];
	[sflag:s23] =	ssyncadd.s32 $0xFFFFFFFF  }
0xa5: {  	s26 =	simm.s32 $execute0_lowered;
	[smem:$0x3FD2] =	sst s25  }
0xa6: {  	s5 =	sshll.u32 s26, $0x1;
	_ =	strace $0x80000046;
	[dreg:$0x1] =	wrdreg $0xFFFFFFFF  }
0xa7: {  	s28 =	simm.s32 $_size_execute0_lowered;
	s3 =	sadd.s32 s3, s5;
	[dreg:$0x0] =	wrdreg $0x0  }
0xa8: {  	s5 =	sshll.u32 s28, $0x1;
	[dreg:$0x2] =	wrdreg s3  }
0xa9: {  	[dreg:$0x3] =	wrdreg s5  }
0xaa: {  	[dreg:$0x4] =	wrdreg $0xC0  }
0xab: {  	_ =	task [dreg:s7], $0x5FFFF  }
0xac: {  	[dreg:$0x1] =	wrdreg $0xFFFFFFFF  }
0xad: {  	[dreg:$0x0] =	wrdreg $0x60  }
0xae: {  	[dreg:$0x2] =	wrdreg s2  }
0xaf: {  	[dreg:$0x3] =	wrdreg s24  }
0xb0: {  	[dreg:$0x4] =	wrdreg $0x9  }
0xb1: {  	_ =	task.clear_ibuf [dreg:s7], $0x5FFFF;
	_ =	strace $0x90000046  }
0xb2: {  	s29 =	simm.s32 $0x9;
	_ =	strace $0x80000048  }
0xb3: {  	_ =	swait.ge [sflag:s29], $0x1  }
0xb4: {  	[sflag:s29] =	ssyncadd.s32 $0xFFFFFFFF  }
0xb5: {  	_ =	strace $0x90000048  }
0xb6: {  	_ =	sfence  }
0xb7: {  	s30 =	sld [smem:$0x0];
	_ =	sdelay $0x2  }
0xb8: {  	s31 =	sshll.u32 s1, $0xD;
	s1 =	sshrl.u32 s1, $0x2  }
0xb9: {  	s3 =	sand.u32 $0x4000, s31;
	s1 =	sadd.s32 s1, s30  }
0xba: {  	s0 =	sor.u32 s3, s0;
	s1 =	sshll.u32 s1, $0x11  }
0xbb: {  	s0 =	sor.u32 s1, s0  }
0xbc: {  	s0 =	sadd.s32 $0x8F2B, s0  }
0xbd: {  	[sflag:s0] =	ssyncadd.remote.s32 $0x1  }
0xbe: {  	_ =	sfence.sel $0xFFFF  }
0xbf: {  	[dreg:$0x0] =	wrdreg $0xFFFFFFFF;
	(pc) =	sbr.abs _section_cstart, $3  }
0xc0: {  	[dreg:$0x1] =	wrdreg $0xFFFFFFFF  }
0xc1: {  	_ =	task.clear_ibuf [dreg:s7], $0x2FFFF;
	_ =	strace $0x9FFFFFFF  }
0xc2: {  	(tm) =	ssettm $0x7FFFFFFF  }
0xc3: {  	_ =	shalt  }
tec
execute0_lowered:
.L_overlay_start_1:
0x0: {  	(tag) =	ssettag $0x1  }
0x1: {  	s5 =	rddreg [dreg:$0x0]  }
0x2: {  	s8 =	rddreg [dreg:$0x1]  }
0x3: {  	s0 =	rddreg [dreg:$0x2]  }
0x4: {  	s1 =	simm.s32 $0x0;
	s2 =	srdreg.scid;
	s13 =	simm.s32 $0x2  }
0x5: {  	s14 =	simm.s32 $0x200;
	s15 =	simm.s32 $0xA00;
	s16 =	simm.s32 $0x1200  }
0x6: {  	s17 =	simm.s32 $0x1A00;
	s18 =	simm.s32 $0x2200;
	s19 =	simm.s32 $0x2A00  }
0x7: {  	s20 =	simm.s32 $0x3200;
	s21 =	simm.s32 $0x3A00;
	s22 =	simm.s32 $0x4200  }
0x8: {  	s23 =	simm.s32 $0x4A00;
	s24 =	simm.s32 $0x5200;
	s25 =	simm.s32 $0x5A00  }
0x9: {  	s28 =	simm.s32 $0x6A00;
	s29 =	simm.s32 $0x7200;
	s30 =	simm.s32 $0x7A00  }
0xa: {  	s31 =	simm.s32 $0x1;
	[smem:$0x7FF] =	sst s1;
	s4 =	sand.u32 $0x1, s2  }
0xb: {  	s3 =	sadd.s32 $0x1C00, s8;
	_ =	strace $0x80000047;
	s2 =	sshll.u32 s4, $0x6  }
0xc: {  	s7 =	ssub.s32 $0x2, s4;
	s6 =	sadd.s32 s2, s8;
	s2 =	stileid.u32  }
0xd: {  	s4 =	sshll.u32 s4, $0xE;
	s9 =	sshrl.u32 s7, $0x1;
	s10 =	sshll.u32 s2, $0xF  }
0xe: {  	s11 =	sshll.u32 s2, $0x7;
	s12 =	ssub.s32 s7, s9;
	s7 =	sadd.s32 $0x1E00, s8  }
0xf: {  	s10 =	sand.u32 $0x38000, s10;
	s6 =	sadd.s32 s11, s6;
	s12 =	smax.u32 s12, $0x1  }
0x10: {  	v2 =	vlaneseq.u32;
	s26 =	sor.u32 s4, s10;
	s4 =	sadd.s32 $0x1400, s6;
	s6 =	sadd.s32 $0x1D00, s8  }
0x11: {  	vm0 =	vmmov $0xffff;
	v1 =	vshrl.u32 v2, $0x3;
	s8 =	sadd.s32 $0x1F00, s8;
	s5 =	sadd.s32 s5, s26;
	s26 =	simm.s32 $0x6200  }
0x12: {  	v0 =	vand.u32 $0x7, v2;
	v2 =	vor.u32 $0x8, v2;
	v1 =	vmul.u32 $0x8, v1;
	s9 =	sadd.s32 $0x1000, s5;
	s10 =	sadd.s32 $0x2000, s5;
	s11 =	sadd.s32 $0x3000, s5  }
.LBB2_1:
0x13: {  	[tilespmem:s1], [sflag:$0x2] =	stream.linear.gather [hbm4b:s4+s1], $0x200, $0x38;
	[tilespmem:$0x8200] =	vst v63  }
0x14: {  	_ =	swait.ge [sflag:s13], $0x200  }
0x15: {  	[sflag:s13] =	ssyncset.done $0x0  }
0x16: {  	[sflag:s13] =	ssyncadd.s32 $0xFFFFFE00  }
0x17: {  	[tilespmem:s14], [sflag:$0x2] =	stream.linear.gather [hbm4b:s5+s1], $0x8000, $0x38;
	[tilespmem:$0x8200] =	vst v63  }
0x18: {  	_ =	swait.ge [sflag:s13], $0x8000  }
0x19: {  	[sflag:s13] =	ssyncset.done $0x0  }
0x1a: {  	[sflag:s13] =	ssyncadd.s32 $0xFFFF8000  }
0x1b: {  	v3 =	vld [tilespmem:$0x0];
	_ =	sdelay $0x4  }
0x1c: {  	v4 =	vshll.u32 v3, $0x3  }
0x1d: {  	v3 =	vand.u32 $0x7, v3;
	v4 =	vand.u32 $0xFFFFFFC0, v4  }
0x1e: {  	v3 =	vor.u32 v3, v4  }
0x1f: {  	v4 =	vperm.xlane v3, v0;
	_ =	sdelay $0x1  }
0x20: {  	v4 =	vadd.s32 v1, v4;
	_ =	sdelay $0x4  }
0x21: {  	[hbm4b:s3+s1] =	stream.indirect_vreg.scatter [tilespmem:s14], [sflag:$0x1], $0x80, v4, vm0, $0xb8;
	[tilespmem:$0x8200] =	vst v63  }
0x22: {  	v3 =	vperm.xlane v3, v2  }
0x23: {  	[hbm4b:s6+s1] =	stream.indirect_vreg.scatter [tilespmem:s15], [sflag:$0x1], $0x80, v4, vm0, $0xb8;
	[tilespmem:$0x8200] =	vst v63  }
0x24: {  	v3 =	vadd.s32 v1, v3  }
0x25: {  	[hbm4b:s7+s1] =	stream.indirect_vreg.scatter [tilespmem:s16], [sflag:$0x1], $0x80, v4, vm0, $0xb8;
	[tilespmem:$0x8200] =	vst v63  }
0x26: {  	_ = 	snop  }
0x27: {  	[hbm4b:s8+s1] =	stream.indirect_vreg.scatter [tilespmem:s17], [sflag:$0x1], $0x80, v4, vm0, $0xb8;
	[tilespmem:$0x8200] =	vst v63  }
0x28: {  	_ = 	snop  }
0x29: {  	[hbm4b:s3+s1] =	stream.indirect_vreg.scatter [tilespmem:s18], [sflag:$0x1], $0x80, v3, vm0, $0xb8;
	[tilespmem:$0x8200] =	vst v63  }
0x2a: {  	_ = 	snop  }
0x2b: {  	[hbm4b:s6+s1] =	stream.indirect_vreg.scatter [tilespmem:s19], [sflag:$0x1], $0x80, v3, vm0, $0xb8;
	[tilespmem:$0x8200] =	vst v63  }
0x2c: {  	_ = 	snop  }
0x2d: {  	[hbm4b:s7+s1] =	stream.indirect_vreg.scatter [tilespmem:s20], [sflag:$0x1], $0x80, v3, vm0, $0xb8;
	[tilespmem:$0x8200] =	vst v63  }
0x2e: {  	_ = 	snop  }
0x2f: {  	[hbm4b:s8+s1] =	stream.indirect_vreg.scatter [tilespmem:s21], [sflag:$0x1], $0x80, v3, vm0, $0xb8;
	[tilespmem:$0x8200] =	vst v63  }
0x30: {  	v3 =	vld [tilespmem:$0x10];
	_ =	sdelay $0x4  }
0x31: {  	v57 =	vshll.u32 v3, $0x3  }
0x32: {  	v3 =	vand.u32 $0x7, v3;
	v4 =	vand.u32 $0xFFFFFFC0, v57  }
0x33: {  	v3 =	vor.u32 v3, v4  }
0x34: {  	v4 =	vperm.xlane v3, v0;
	_ =	sdelay $0x1  }
0x35: {  	v4 =	vadd.s32 v1, v4;
	_ =	sdelay $0x4  }
0x36: {  	[hbm4b:s3+s1] =	stream.indirect_vreg.scatter [tilespmem:s22], [sflag:$0x1], $0x80, v4, vm0, $0xb8;
	[tilespmem:$0x8200] =	vst v63  }
0x37: {  	v3 =	vperm.xlane v3, v2  }
0x38: {  	[hbm4b:s6+s1] =	stream.indirect_vreg.scatter [tilespmem:s23], [sflag:$0x1], $0x80, v4, vm0, $0xb8;
	[tilespmem:$0x8200] =	vst v63  }
0x39: {  	v3 =	vadd.s32 v1, v3  }
0x3a: {  	[hbm4b:s7+s1] =	stream.indirect_vreg.scatter [tilespmem:s24], [sflag:$0x1], $0x80, v4, vm0, $0xb8;
	[tilespmem:$0x8200] =	vst v63  }
0x3b: {  	_ = 	snop  }
0x3c: {  	[hbm4b:s8+s1] =	stream.indirect_vreg.scatter [tilespmem:s25], [sflag:$0x1], $0x80, v4, vm0, $0xb8;
	[tilespmem:$0x8200] =	vst v63  }
0x3d: {  	_ = 	snop  }
0x3e: {  	[hbm4b:s3+s1] =	stream.indirect_vreg.scatter [tilespmem:s26], [sflag:$0x1], $0x80, v3, vm0, $0xb8;
	[tilespmem:$0x8200] =	vst v63  }
0x3f: {  	_ = 	snop  }
0x40: {  	[hbm4b:s6+s1] =	stream.indirect_vreg.scatter [tilespmem:s28], [sflag:$0x1], $0x80, v3, vm0, $0xb8;
	[tilespmem:$0x8200] =	vst v63  }
0x41: {  	_ = 	snop  }
0x42: {  	[hbm4b:s7+s1] =	stream.indirect_vreg.scatter [tilespmem:s29], [sflag:$0x1], $0x80, v3, vm0, $0xb8;
	[tilespmem:$0x8200] =	vst v63  }
0x43: {  	_ = 	snop  }
0x44: {  	[hbm4b:s8+s1] =	stream.indirect_vreg.scatter [tilespmem:s30], [sflag:$0x1], $0x80, v3, vm0, $0xb8;
	[tilespmem:$0x8200] =	vst v63  }
0x45: {  	_ =	swait.ge [sflag:s31], $0x8000  }
0x46: {  	[sflag:s31] =	ssyncset.done $0x0  }
0x47: {  	[sflag:s31] =	ssyncadd.s32 $0xFFFF8000  }
0x48: {  	[tilespmem:s14], [sflag:$0x2] =	stream.linear.gather [hbm4b:s9+s1], $0x8000, $0x38;
	[tilespmem:$0x8200] =	vst v63  }
0x49: {  	_ =	swait.ge [sflag:s13], $0x8000  }
0x4a: {  	[sflag:s13] =	ssyncset.done $0x0  }
0x4b: {  	[sflag:s13] =	ssyncadd.s32 $0xFFFF8000  }
0x4c: {  	v3 =	vld [tilespmem:$0x80];
	_ =	sdelay $0x4  }
0x4d: {  	v58 =	vshll.u32 v3, $0x3  }
0x4e: {  	v3 =	vand.u32 $0x7, v3;
	v4 =	vand.u32 $0xFFFFFFC0, v58  }
0x4f: {  	v3 =	vor.u32 v3, v4  }
0x50: {  	v4 =	vperm.xlane v3, v0;
	_ =	sdelay $0x1  }
0x51: {  	v4 =	vadd.s32 v1, v4;
	_ =	sdelay $0x4  }
0x52: {  	[hbm4b:s3+s1] =	stream.indirect_vreg.scatter [tilespmem:s14], [sflag:$0x1], $0x80, v4, vm0, $0xb8;
	[tilespmem:$0x8200] =	vst v63  }
0x53: {  	v3 =	vperm.xlane v3, v2  }
0x54: {  	[hbm4b:s6+s1] =	stream.indirect_vreg.scatter [tilespmem:s15], [sflag:$0x1], $0x80, v4, vm0, $0xb8;
	[tilespmem:$0x8200] =	vst v63  }
0x55: {  	v3 =	vadd.s32 v1, v3  }
0x56: {  	[hbm4b:s7+s1] =	stream.indirect_vreg.scatter [tilespmem:s16], [sflag:$0x1], $0x80, v4, vm0, $0xb8;
	[tilespmem:$0x8200] =	vst v63  }
0x57: {  	_ = 	snop  }
0x58: {  	[hbm4b:s8+s1] =	stream.indirect_vreg.scatter [tilespmem:s17], [sflag:$0x1], $0x80, v4, vm0, $0xb8;
	[tilespmem:$0x8200] =	vst v63  }
0x59: {  	_ = 	snop  }
0x5a: {  	[hbm4b:s3+s1] =	stream.indirect_vreg.scatter [tilespmem:s18], [sflag:$0x1], $0x80, v3, vm0, $0xb8;
	[tilespmem:$0x8200] =	vst v63  }
0x5b: {  	_ = 	snop  }
0x5c: {  	[hbm4b:s6+s1] =	stream.indirect_vreg.scatter [tilespmem:s19], [sflag:$0x1], $0x80, v3, vm0, $0xb8;
	[tilespmem:$0x8200] =	vst v63  }
0x5d: {  	_ = 	snop  }
0x5e: {  	[hbm4b:s7+s1] =	stream.indirect_vreg.scatter [tilespmem:s20], [sflag:$0x1], $0x80, v3, vm0, $0xb8;
	[tilespmem:$0x8200] =	vst v63  }
0x5f: {  	_ = 	snop  }
0x60: {  	[hbm4b:s8+s1] =	stream.indirect_vreg.scatter [tilespmem:s21], [sflag:$0x1], $0x80, v3, vm0, $0xb8;
	[tilespmem:$0x8200] =	vst v63  }
0x61: {  	v3 =	vld [tilespmem:$0x90];
	_ =	sdelay $0x4  }
0x62: {  	v59 =	vshll.u32 v3, $0x3  }
0x63: {  	v3 =	vand.u32 $0x7, v3;
	v4 =	vand.u32 $0xFFFFFFC0, v59  }
0x64: {  	v3 =	vor.u32 v3, v4  }
0x65: {  	v4 =	vperm.xlane v3, v0;
	_ =	sdelay $0x1  }
0x66: {  	v4 =	vadd.s32 v1, v4;
	_ =	sdelay $0x4  }
0x67: {  	[hbm4b:s3+s1] =	stream.indirect_vreg.scatter [tilespmem:s22], [sflag:$0x1], $0x80, v4, vm0, $0xb8;
	[tilespmem:$0x8200] =	vst v63  }
0x68: {  	v3 =	vperm.xlane v3, v2  }
0x69: {  	[hbm4b:s6+s1] =	stream.indirect_vreg.scatter [tilespmem:s23], [sflag:$0x1], $0x80, v4, vm0, $0xb8;
	[tilespmem:$0x8200] =	vst v63  }
0x6a: {  	v3 =	vadd.s32 v1, v3  }
0x6b: {  	[hbm4b:s7+s1] =	stream.indirect_vreg.scatter [tilespmem:s24], [sflag:$0x1], $0x80, v4, vm0, $0xb8;
	[tilespmem:$0x8200] =	vst v63  }
0x6c: {  	_ = 	snop  }
0x6d: {  	[hbm4b:s8+s1] =	stream.indirect_vreg.scatter [tilespmem:s25], [sflag:$0x1], $0x80, v4, vm0, $0xb8;
	[tilespmem:$0x8200] =	vst v63  }
0x6e: {  	_ = 	snop  }
0x6f: {  	[hbm4b:s3+s1] =	stream.indirect_vreg.scatter [tilespmem:s26], [sflag:$0x1], $0x80, v3, vm0, $0xb8;
	[tilespmem:$0x8200] =	vst v63  }
0x70: {  	_ = 	snop  }
0x71: {  	[hbm4b:s6+s1] =	stream.indirect_vreg.scatter [tilespmem:s28], [sflag:$0x1], $0x80, v3, vm0, $0xb8;
	[tilespmem:$0x8200] =	vst v63  }
0x72: {  	_ = 	snop  }
0x73: {  	[hbm4b:s7+s1] =	stream.indirect_vreg.scatter [tilespmem:s29], [sflag:$0x1], $0x80, v3, vm0, $0xb8;
	[tilespmem:$0x8200] =	vst v63  }
0x74: {  	_ = 	snop  }
0x75: {  	[hbm4b:s8+s1] =	stream.indirect_vreg.scatter [tilespmem:s30], [sflag:$0x1], $0x80, v3, vm0, $0xb8;
	[tilespmem:$0x8200] =	vst v63  }
0x76: {  	_ =	swait.ge [sflag:s31], $0x8000  }
0x77: {  	[sflag:s31] =	ssyncset.done $0x0  }
0x78: {  	[sflag:s31] =	ssyncadd.s32 $0xFFFF8000  }
0x79: {  	[tilespmem:s14], [sflag:$0x2] =	stream.linear.gather [hbm4b:s10+s1], $0x8000, $0x38;
	[tilespmem:$0x8200] =	vst v63  }
0x7a: {  	_ =	swait.ge [sflag:s13], $0x8000  }
0x7b: {  	[sflag:s13] =	ssyncset.done $0x0  }
0x7c: {  	[sflag:s13] =	ssyncadd.s32 $0xFFFF8000  }
0x7d: {  	v3 =	vld [tilespmem:$0x100];
	_ =	sdelay $0x4  }
0x7e: {  	v60 =	vshll.u32 v3, $0x3  }
0x7f: {  	v3 =	vand.u32 $0x7, v3;
	v4 =	vand.u32 $0xFFFFFFC0, v60  }
0x80: {  	v3 =	vor.u32 v3, v4  }
0x81: {  	v4 =	vperm.xlane v3, v0;
	_ =	sdelay $0x1  }
0x82: {  	v4 =	vadd.s32 v1, v4;
	_ =	sdelay $0x4  }
0x83: {  	[hbm4b:s3+s1] =	stream.indirect_vreg.scatter [tilespmem:s14], [sflag:$0x1], $0x80, v4, vm0, $0xb8;
	[tilespmem:$0x8200] =	vst v63  }
0x84: {  	v3 =	vperm.xlane v3, v2  }
0x85: {  	[hbm4b:s6+s1] =	stream.indirect_vreg.scatter [tilespmem:s15], [sflag:$0x1], $0x80, v4, vm0, $0xb8;
	[tilespmem:$0x8200] =	vst v63  }
0x86: {  	v3 =	vadd.s32 v1, v3  }
0x87: {  	[hbm4b:s7+s1] =	stream.indirect_vreg.scatter [tilespmem:s16], [sflag:$0x1], $0x80, v4, vm0, $0xb8;
	[tilespmem:$0x8200] =	vst v63  }
0x88: {  	_ = 	snop  }
0x89: {  	[hbm4b:s8+s1] =	stream.indirect_vreg.scatter [tilespmem:s17], [sflag:$0x1], $0x80, v4, vm0, $0xb8;
	[tilespmem:$0x8200] =	vst v63  }
0x8a: {  	_ = 	snop  }
0x8b: {  	[hbm4b:s3+s1] =	stream.indirect_vreg.scatter [tilespmem:s18], [sflag:$0x1], $0x80, v3, vm0, $0xb8;
	[tilespmem:$0x8200] =	vst v63  }
0x8c: {  	_ = 	snop  }
0x8d: {  	[hbm4b:s6+s1] =	stream.indirect_vreg.scatter [tilespmem:s19], [sflag:$0x1], $0x80, v3, vm0, $0xb8;
	[tilespmem:$0x8200] =	vst v63  }
0x8e: {  	_ = 	snop  }
0x8f: {  	[hbm4b:s7+s1] =	stream.indirect_vreg.scatter [tilespmem:s20], [sflag:$0x1], $0x80, v3, vm0, $0xb8;
	[tilespmem:$0x8200] =	vst v63  }
0x90: {  	_ = 	snop  }
0x91: {  	[hbm4b:s8+s1] =	stream.indirect_vreg.scatter [tilespmem:s21], [sflag:$0x1], $0x80, v3, vm0, $0xb8;
	[tilespmem:$0x8200] =	vst v63  }
0x92: {  	v3 =	vld [tilespmem:$0x110];
	_ =	sdelay $0x4  }
0x93: {  	v61 =	vshll.u32 v3, $0x3  }
0x94: {  	v3 =	vand.u32 $0x7, v3;
	v4 =	vand.u32 $0xFFFFFFC0, v61  }
0x95: {  	v3 =	vor.u32 v3, v4  }
0x96: {  	v4 =	vperm.xlane v3, v0;
	_ =	sdelay $0x1  }
0x97: {  	v4 =	vadd.s32 v1, v4;
	_ =	sdelay $0x4  }
0x98: {  	[hbm4b:s3+s1] =	stream.indirect_vreg.scatter [tilespmem:s22], [sflag:$0x1], $0x80, v4, vm0, $0xb8;
	[tilespmem:$0x8200] =	vst v63  }
0x99: {  	v3 =	vperm.xlane v3, v2  }
0x9a: {  	[hbm4b:s6+s1] =	stream.indirect_vreg.scatter [tilespmem:s23], [sflag:$0x1], $0x80, v4, vm0, $0xb8;
	[tilespmem:$0x8200] =	vst v63  }
0x9b: {  	v3 =	vadd.s32 v1, v3  }
0x9c: {  	[hbm4b:s7+s1] =	stream.indirect_vreg.scatter [tilespmem:s24], [sflag:$0x1], $0x80, v4, vm0, $0xb8;
	[tilespmem:$0x8200] =	vst v63  }
0x9d: {  	_ = 	snop  }
0x9e: {  	[hbm4b:s8+s1] =	stream.indirect_vreg.scatter [tilespmem:s25], [sflag:$0x1], $0x80, v4, vm0, $0xb8;
	[tilespmem:$0x8200] =	vst v63  }
0x9f: {  	_ = 	snop  }
0xa0: {  	[hbm4b:s3+s1] =	stream.indirect_vreg.scatter [tilespmem:s26], [sflag:$0x1], $0x80, v3, vm0, $0xb8;
	[tilespmem:$0x8200] =	vst v63  }
0xa1: {  	_ = 	snop  }
0xa2: {  	[hbm4b:s6+s1] =	stream.indirect_vreg.scatter [tilespmem:s28], [sflag:$0x1], $0x80, v3, vm0, $0xb8;
	[tilespmem:$0x8200] =	vst v63  }
0xa3: {  	_ = 	snop  }
0xa4: {  	[hbm4b:s7+s1] =	stream.indirect_vreg.scatter [tilespmem:s29], [sflag:$0x1], $0x80, v3, vm0, $0xb8;
	[tilespmem:$0x8200] =	vst v63  }
0xa5: {  	_ = 	snop  }
0xa6: {  	[hbm4b:s8+s1] =	stream.indirect_vreg.scatter [tilespmem:s30], [sflag:$0x1], $0x80, v3, vm0, $0xb8;
	[tilespmem:$0x8200] =	vst v63  }
0xa7: {  	_ =	swait.ge [sflag:s31], $0x8000  }
0xa8: {  	[sflag:s31] =	ssyncset.done $0x0  }
0xa9: {  	[sflag:s31] =	ssyncadd.s32 $0xFFFF8000  }
0xaa: {  	[tilespmem:s14], [sflag:$0x2] =	stream.linear.gather [hbm4b:s11+s1], $0x8000, $0x38;
	[tilespmem:$0x8200] =	vst v63  }
0xab: {  	_ =	swait.ge [sflag:s13], $0x8000  }
0xac: {  	[sflag:s13] =	ssyncset.done $0x0  }
0xad: {  	[sflag:s13] =	ssyncadd.s32 $0xFFFF8000  }
0xae: {  	v3 =	vld [tilespmem:$0x180];
	_ =	sdelay $0x4  }
0xaf: {  	v62 =	vshll.u32 v3, $0x3  }
0xb0: {  	v3 =	vand.u32 $0x7, v3;
	v4 =	vand.u32 $0xFFFFFFC0, v62  }
0xb1: {  	v3 =	vor.u32 v3, v4  }
0xb2: {  	v4 =	vperm.xlane v3, v0;
	_ =	sdelay $0x1  }
0xb3: {  	v4 =	vadd.s32 v1, v4;
	_ =	sdelay $0x4  }
0xb4: {  	[hbm4b:s3+s1] =	stream.indirect_vreg.scatter [tilespmem:s14], [sflag:$0x1], $0x80, v4, vm0, $0xb8;
	[tilespmem:$0x8200] =	vst v63  }
0xb5: {  	v3 =	vperm.xlane v3, v2  }
0xb6: {  	[hbm4b:s6+s1] =	stream.indirect_vreg.scatter [tilespmem:s15], [sflag:$0x1], $0x80, v4, vm0, $0xb8;
	[tilespmem:$0x8200] =	vst v63  }
0xb7: {  	v3 =	vadd.s32 v1, v3  }
0xb8: {  	[hbm4b:s7+s1] =	stream.indirect_vreg.scatter [tilespmem:s16], [sflag:$0x1], $0x80, v4, vm0, $0xb8;
	[tilespmem:$0x8200] =	vst v63  }
0xb9: {  	_ = 	snop  }
0xba: {  	[hbm4b:s8+s1] =	stream.indirect_vreg.scatter [tilespmem:s17], [sflag:$0x1], $0x80, v4, vm0, $0xb8;
	[tilespmem:$0x8200] =	vst v63  }
0xbb: {  	_ = 	snop  }
0xbc: {  	[hbm4b:s3+s1] =	stream.indirect_vreg.scatter [tilespmem:s18], [sflag:$0x1], $0x80, v3, vm0, $0xb8;
	[tilespmem:$0x8200] =	vst v63  }
0xbd: {  	_ = 	snop  }
0xbe: {  	[hbm4b:s6+s1] =	stream.indirect_vreg.scatter [tilespmem:s19], [sflag:$0x1], $0x80, v3, vm0, $0xb8;
	[tilespmem:$0x8200] =	vst v63  }
0xbf: {  	_ = 	snop  }
0xc0: {  	[hbm4b:s7+s1] =	stream.indirect_vreg.scatter [tilespmem:s20], [sflag:$0x1], $0x80, v3, vm0, $0xb8;
	[tilespmem:$0x8200] =	vst v63  }
0xc1: {  	_ = 	snop  }
0xc2: {  	[hbm4b:s8+s1] =	stream.indirect_vreg.scatter [tilespmem:s21], [sflag:$0x1], $0x80, v3, vm0, $0xb8;
	[tilespmem:$0x8200] =	vst v63  }
0xc3: {  	v3 =	vld [tilespmem:$0x190];
	_ =	sdelay $0x4  }
0xc4: {  	v63 =	vshll.u32 v3, $0x3  }
0xc5: {  	v3 =	vand.u32 $0x7, v3;
	v4 =	vand.u32 $0xFFFFFFC0, v63  }
0xc6: {  	v3 =	vor.u32 v3, v4  }
0xc7: {  	v4 =	vperm.xlane v3, v0;
	_ =	sdelay $0x1  }
0xc8: {  	v4 =	vadd.s32 v1, v4;
	_ =	sdelay $0x4  }
0xc9: {  	[hbm4b:s3+s1] =	stream.indirect_vreg.scatter [tilespmem:s22], [sflag:$0x1], $0x80, v4, vm0, $0xb8;
	[tilespmem:$0x8200] =	vst v63  }
0xca: {  	v3 =	vperm.xlane v3, v2  }
0xcb: {  	[hbm4b:s6+s1] =	stream.indirect_vreg.scatter [tilespmem:s23], [sflag:$0x1], $0x80, v4, vm0, $0xb8;
	[tilespmem:$0x8200] =	vst v63  }
0xcc: {  	v3 =	vadd.s32 v1, v3  }
0xcd: {  	[hbm4b:s7+s1] =	stream.indirect_vreg.scatter [tilespmem:s24], [sflag:$0x1], $0x80, v4, vm0, $0xb8;
	[tilespmem:$0x8200] =	vst v63  }
0xce: {  	_ = 	snop  }
0xcf: {  	[hbm4b:s8+s1] =	stream.indirect_vreg.scatter [tilespmem:s25], [sflag:$0x1], $0x80, v4, vm0, $0xb8;
	[tilespmem:$0x8200] =	vst v63  }
0xd0: {  	_ = 	snop  }
0xd1: {  	[hbm4b:s3+s1] =	stream.indirect_vreg.scatter [tilespmem:s26], [sflag:$0x1], $0x80, v3, vm0, $0xb8;
	[tilespmem:$0x8200] =	vst v63  }
0xd2: {  	_ = 	snop  }
0xd3: {  	[hbm4b:s6+s1] =	stream.indirect_vreg.scatter [tilespmem:s28], [sflag:$0x1], $0x80, v3, vm0, $0xb8;
	[tilespmem:$0x8200] =	vst v63  }
0xd4: {  	p0 =	sne.s32 s12, $0x1  }
0xd5: {  	[hbm4b:s7+s1] =	stream.indirect_vreg.scatter [tilespmem:s29], [sflag:$0x1], $0x80, v3, vm0, $0xb8;
	[tilespmem:$0x8200] =	vst v63  }
.Ltmp0:
0xd6: {  	_ = 	snop;
	(pc) =	sbr.rel @p0 .LBB2_1-.Ltmp0, $4  }
0xd7: {  	[hbm4b:s8+s1] =	stream.indirect_vreg.scatter [tilespmem:s30], [sflag:$0x1], $0x80, v3, vm0, $0xb8;
	[tilespmem:$0x8200] =	vst v63  }
0xd8: {  	_ =	swait.ge [sflag:s31], $0x8000  }
0xd9: {  	[sflag:s31] =	ssyncset.done $0x0  }
0xda: {  	s12 =	sadd.s32 $0xFFFFFFFF, s12;
	[sflag:s31] =	ssyncadd.s32 $0xFFFF8000  }
0xdb: {  	_ =	sfence.sel $0x180000  }
0xdc: {  	[bflag:$0x0] =	sbarrier.arrive $0xFFFF  }
0xdd: {  	p0 =	sne.s32 s2, $0x0;
	_ =	strace $0x90000047  }
0xde: {  	s0 =	sadd.s32 @!p0 $0x100000, s0;
	[bflag:$0x2] =	sbarrier.arrive $0xFFFF  }
0xdf: {  	[sflag:s0] =	ssyncadd.tile.s32 @!p0 $0x1;
	_ =	shalt  }
.Lfunc_end2:
_tile_overlayer_lowered:
.L_overlay_start_2:
0xe0: {  	(tag) =	ssettag $0x2  }
0xe1: {  	s0 =	rddreg [dreg:$0x0];
	s2 =	stileid.u32  }
0xe2: {  	s1 =	rddreg [dreg:$0x1];
	p0 =	sne.s32 s2, $0x0  }
0xe3: {  	s3 =	rddreg [dreg:$0x2];
	[bflag:$0x3] =	sbarrier.arrive $0xFFFF;
	s2 =	simm.s32 @!p0 $0x1C02  }
0xe4: {  	[timem:s3], [sflag:s2] =	dma.local @!p0 [hbm:s0], s1  }
0xe5: {  	s0 =	simm.s32 @!p0 $0x2  }
0xe6: {  	_ =	swait.ge @!p0 [sflag:s0], s1  }
0xe7: {  	s1 =	ssub.s32 @!p0 $0x0, s1;
	[sflag:s0] =	ssyncset.done @!p0 $0x0  }
0xe8: {  	[sflag:s0] =	ssyncadd.s32 @!p0 s1  }
0xe9: {  	[bflag:$0x3] =	sbarrier.arrive $0xFFFF  }
0xea: {  	_ =	shalt  }

</sc_bundles>
